<compile_context>
chip_gen: v7x
topology: tpu7x:2x2x1
jax: 0.10.2.dev20260603
libtpu: 0.0.44.dev20260713+nightly
codegen_flags: <defaults>
</compile_context>

<pallas_src>
import functools

import jax
import jax.numpy as jnp
from jax import lax
from jax.experimental import pallas as pl
from jax.experimental.pallas import tpu as pltpu
from jax.experimental.pallas import tpu_sc as plsc

VOCAB = 100000
D = 256
DW = D // 2
B, F, L = 1024, 16, 50
NSEG = B * F
ROWS_BLK = 2000
NBLK = 51
VOCAB_PAD = NBLK * ROWS_BLK
NW = 32
SEG_PER_W = NSEG // NW
TOK_PER_W = SEG_PER_W * L
LP = 64
LPAD = 80
NBUF = 4


def _ln_table_body(emb_ref, gamma_ref, out_ref):
    i = pl.program_id(0)
    x = emb_ref[...]
    mu = jnp.mean(x, axis=1, keepdims=True)
    var = jnp.mean((x - mu) ** 2, axis=1, keepdims=True)
    y = (x - mu) * lax.rsqrt(var + 1e-5) * gamma_ref[...]
    row = i * ROWS_BLK + lax.broadcasted_iota(jnp.int32, (ROWS_BLK, 1), 0)
    y = jnp.where(row < VOCAB, y, 0.0)
    u = lax.bitcast_convert_type(y, jnp.uint32)
    t = u + jnp.uint32(0x7FFF) + ((u >> 16) & jnp.uint32(1))
    h = t >> 16
    out_ref[...] = h[:, :DW] | (h[:, DW:] << 16)


def _build_table(emb, gamma):
    return pl.pallas_call(
        _ln_table_body,
        grid=(NBLK,),
        in_specs=[
            pl.BlockSpec((ROWS_BLK, D), lambda i: (jnp.minimum(i, NBLK - 2), 0)),
            pl.BlockSpec((1, D), lambda i: (0, 0)),
        ],
        out_specs=pl.BlockSpec((ROWS_BLK, DW), lambda i: (i, 0)),
        out_shape=jax.ShapeDtypeStruct((VOCAB_PAD, DW), jnp.uint32),
    )(emb, gamma)


def _sc_pool(ids_flat, mask_flat, ntab, beta):
    mesh = plsc.VectorSubcoreMesh(core_axis_name="c", subcore_axis_name="s")

    @functools.partial(
        pl.kernel,
        mesh=mesh,
        out_type=jax.ShapeDtypeStruct((NSEG * D,), jnp.float32),
        scratch_types=[
            pltpu.VMEM((TOK_PER_W + 16,), jnp.int32),
            pltpu.VMEM((TOK_PER_W + 16,), jnp.int32),
            pltpu.VMEM((NBUF, LPAD), jnp.int32),
            pltpu.VMEM((NBUF, LP, DW), jnp.uint32),
            pltpu.VMEM((2, D), jnp.float32),
            pltpu.VMEM((D,), jnp.float32),
            pltpu.SemaphoreType.DMA,
            pltpu.SemaphoreType.DMA,
        ],
        compiler_params=pltpu.CompilerParams(needs_layout_passes=False),
    )
    def body(ids_hbm, mask_hbm, ntab_hbm, beta_hbm, out_hbm,
             ids_v, mask_v, cidx_v, gbuf_v, orow_v, beta_v, gsem, osem):
        wid = lax.axis_index("s") * 2 + lax.axis_index("c")
        base = wid * TOK_PER_W
        pltpu.sync_copy(ids_hbm.at[pl.ds(base, TOK_PER_W)],
                        ids_v.at[pl.ds(0, TOK_PER_W)])
        pltpu.sync_copy(mask_hbm.at[pl.ds(base, TOK_PER_W)],
                        mask_v.at[pl.ds(0, TOK_PER_W)])
        pltpu.sync_copy(beta_hbm, beta_v)
        lane = lax.iota(jnp.int32, 16)
        himask = jnp.uint32(0xFFFF0000)

        def fire_gather(s, buf):
            off = s * L
            for j2 in range(LPAD // 16):
                padv = (VOCAB + ((s * LPAD + j2 * 16) & 511)) + lane
                cidx_v[buf, pl.ds(j2 * 16, 16)] = padv
            p = jnp.int32(0)
            for j in range(4):
                o = off + j * 16
                idv = ids_v[pl.ds(o, 16)]
                mv = mask_v[pl.ds(o, 16)]
                valid = mv != 0
                if j == 3:
                    valid = valid & (lane < (L - 48))
                plsc.store_compressed(cidx_v.at[buf, pl.ds(p, 16)], idv,
                                      mask=valid)
                p = p + plsc.all_reduce_population_count(valid)[0]
            nch = (p + 7) >> 3

            def fire(j, carry):
                pltpu.make_async_copy(
                    ntab_hbm.at[cidx_v.at[buf, pl.ds(j * 8, 8)]],
                    gbuf_v.at[buf, pl.ds(j * 8, 8)], gsem).start()
                return carry

            lax.fori_loop(0, nch, fire, 0)
            return nch, p

        pipe0 = tuple(fire_gather(i, i) for i in range(NBUF - 1))

        def seg_body(s, pipe):
            nch_cur, cnt_cur = pipe[0]
            par = lax.rem(s, NBUF)
            st_new = lax.cond(s < SEG_PER_W - (NBUF - 1),
                              lambda: fire_gather(s + (NBUF - 1),
                                                  lax.rem(s + (NBUF - 1),
                                                          NBUF)),
                              lambda: (jnp.int32(0), jnp.int32(0)))

            def drain(j, carry):
                pltpu.make_async_copy(
                    ntab_hbm.at[cidx_v.at[par, pl.ds(0, 8)]],
                    gbuf_v.at[par, pl.ds(0, 8)], gsem).wait()
                return carry

            lax.fori_loop(0, nch_cur, drain, 0)

            def acc_body(r, acc):
                new = list(acc)
                for g in range(8):
                    w = gbuf_v[par, r, pl.ds(g * 16, 16)]
                    new[g] = acc[g] + plsc.bitcast(w << 16, jnp.float32)
                    new[8 + g] = acc[8 + g] + plsc.bitcast(w & himask,
                                                           jnp.float32)
                return tuple(new)

            zero = jnp.zeros((16,), jnp.float32)
            acc = lax.fori_loop(0, nch_cur * 8, acc_body, (zero,) * 16)

            opar = lax.rem(s, 2)

            @pl.when(s >= 2)
            def _():
                pltpu.make_async_copy(orow_v.at[opar],
                                      out_hbm.at[pl.ds(0, D)], osem).wait()

            cv = jnp.full((16,), cnt_cur, dtype=jnp.int32)
            cf = cv.astype(jnp.float32)
            has = cv > 0
            inv = jnp.where(has, 1.0 / jnp.maximum(cf, 1.0), 0.0)
            for g in range(8):
                blo = jnp.where(has, beta_v[pl.ds(g * 16, 16)], 0.0)
                bhi = jnp.where(has, beta_v[pl.ds(128 + g * 16, 16)], 0.0)
                orow_v[opar, pl.ds(g * 16, 16)] = acc[g] * inv + blo
                orow_v[opar, pl.ds(128 + g * 16, 16)] = acc[8 + g] * inv + bhi
            gseg = wid * SEG_PER_W + s
            pltpu.make_async_copy(orow_v.at[opar],
                                  out_hbm.at[pl.ds(gseg * D, D)], osem).start()
            return pipe[1:] + (st_new,)

        lax.fori_loop(0, SEG_PER_W, seg_body, pipe0)
        for _ in range(2):
            pltpu.make_async_copy(orow_v.at[0],
                                  out_hbm.at[pl.ds(0, D)], osem).wait()

    return body(ids_flat, mask_flat, ntab, beta)


def kernel(input_ids, attn_mask, emb, gamma, beta):
    ids_flat = input_ids.reshape(-1).astype(jnp.int32)
    mask_flat = attn_mask.reshape(-1).astype(jnp.int32)
    ntab = _build_table(emb, gamma.reshape(1, D))
    pooled = _sc_pool(ids_flat, mask_flat, ntab, beta.reshape(D))
    return pooled.reshape(B, F, D)

# --- scband reference (transcript-rebuilt; emitter-appended) ---
"""Pipeline reference for scband-frame-text-encoder-10453950398552 (READ-ONLY COPY).

The authoritative reference and input builder live on the scoring server;
editing this copy changes nothing except your own understanding.
"""

import jax, jax.numpy as jnp
import numpy as np

VOCAB = 100000
D_MODEL = 256
B, F, L = 1024, 16, 50

def setup_inputs(seed: int = 0) -> dict:
    key = jax.random.key(seed)
    k1, k2, k3 = jax.random.split(key, 3)
    input_ids = jax.random.randint(k1, (B, F, L), 0, VOCAB, dtype=jnp.int64 if jax.config.jax_enable_x64 else jnp.int32)
    attn_mask = jax.random.randint(k2, (B, F, L), 0, 2, dtype=jnp.int64 if jax.config.jax_enable_x64 else jnp.int32)
    emb = jax.random.normal(k3, (VOCAB, D_MODEL), dtype=jnp.float32)
    gamma = jnp.ones((D_MODEL,), dtype=jnp.float32)
    beta = jnp.zeros((D_MODEL,), dtype=jnp.float32)
    return {"input_ids": input_ids, "attn_mask": attn_mask, "emb": emb, "gamma": gamma, "beta": beta}

def reference(input_ids, attn_mask, emb, gamma, beta):
    x = jnp.take(emb, input_ids, axis=0)  # [B, F, L, D]
    mu = jnp.mean(x, axis=-1, keepdims=True)
    var = jnp.mean((x - mu) ** 2, axis=-1, keepdims=True)
    x = (x - mu) / jnp.sqrt(var + 1e-5) * gamma + beta
    m = attn_mask[..., None].astype(jnp.float32)  # [B, F, L, 1]
    x = x * m
    denom = jnp.maximum(jnp.sum(m, axis=2), 1.0)  # [B, F, 1]
    pooled = jnp.sum(x, axis=2) / denom  # [B, F, D]
    return pooled

if __name__ == "__main__":
    import jax
    _d = setup_inputs()
    print(jax.jit(kernel)(*tuple(_d.values())))

</pallas_src>

<mosaic_0001>
#map = affine_map<(d0, d1) -> (0)>
#map1 = affine_map<(d0, d1) -> (0, 0)>
module attributes {stable_mosaic.version = 14 : i64} {
  func.func @body(%arg0: i32, %arg1: i32, %arg2: memref<819200xi32, #tpu.memory_space<hbm>>, %arg3: memref<819200xi32, #tpu.memory_space<hbm>>, %arg4: memref<102000x128xi32, #tpu.memory_space<hbm>>, %arg5: memref<256xf32, #tpu.memory_space<hbm>>, %arg6: memref<4194304xf32, #tpu.memory_space<hbm>>, %arg7: memref<25616xi32, #tpu.memory_space<vmem>>, %arg8: memref<25616xi32, #tpu.memory_space<vmem>>, %arg9: memref<4x80xi32, #tpu.memory_space<vmem>>, %arg10: memref<4x64x128xi32, #tpu.memory_space<vmem>>, %arg11: memref<2x256xf32, #tpu.memory_space<vmem>>, %arg12: memref<256xf32, #tpu.memory_space<vmem>>, %arg13: memref<!tpu.dma_semaphore, #tpu.memory_space<semaphore_mem>>, %arg14: memref<!tpu.dma_semaphore, #tpu.memory_space<semaphore_mem>>) attributes {dimension_semantics = [#tpu.dimension_semantics<core_parallel>, #tpu.dimension_semantics<subcore_parallel>], iteration_bounds = array<i64: 2, 16>, scalar_prefetch = 0 : i64, scratch_operands = 8 : i64, tpu.core_type = #tpu.core_type<sc_vector_subcore>, window_params = [{transform_indices = #map}, {transform_indices = #map}, {transform_indices = #map1}, {transform_indices = #map}, {transform_indices = #map}]} {
    %mul3A = arith.constant 2 : i32
    %mul3A_0 = arith.muli %arg1, %mul3A : i32
    %add3A = arith.addi %mul3A_0, %arg0 : i32
    %mul3A_1 = arith.constant 25600 : i32
    %mul3A_2 = arith.muli %add3A, %mul3A_1 : i32
    "tpu.region"() ({
      %run_scoped3A = tpu.sem_alloc : memref<!tpu.dma_semaphore, #tpu.memory_space<semaphore_mem>>
      %dma_start3A = arith.constant 0 : i32
      %dma_start3A_365 = tpu.memref_slice %arg7[%dma_start3A] : memref<25616xi32, #tpu.memory_space<vmem>> -> memref<25600xi32, #tpu.memory_space<vmem>>
      %dma_start3A_366 = tpu.memref_slice %arg2[%mul3A_2] : memref<819200xi32, #tpu.memory_space<hbm>> -> memref<25600xi32, #tpu.memory_space<hbm>>
      %dma_start3A_367 = arith.constant 0 : i32
      %dma_start3A_368 = tpu.memref_slice %arg7[%dma_start3A_367] : memref<25616xi32, #tpu.memory_space<vmem>> -> memref<25600xi32, #tpu.memory_space<vmem>>
      %dma_start3A_369 = tpu.memref_slice %arg2[%mul3A_2] : memref<819200xi32, #tpu.memory_space<hbm>> -> memref<25600xi32, #tpu.memory_space<hbm>>
      tpu.enqueue_dma source(%dma_start3A_369 : memref<25600xi32, #tpu.memory_space<hbm>>) target(%dma_start3A_368 : memref<25600xi32, #tpu.memory_space<vmem>>) target_semaphore(%run_scoped3A : memref<!tpu.dma_semaphore, #tpu.memory_space<semaphore_mem>>)
      %dma_wait3A_370 = arith.constant 0 : i32
      %dma_wait3A_371 = tpu.memref_slice %arg7[%dma_wait3A_370] : memref<25616xi32, #tpu.memory_space<vmem>> -> memref<25600xi32, #tpu.memory_space<vmem>>
      %dma_wait3A_372 = tpu.memref_slice %arg2[%mul3A_2] : memref<819200xi32, #tpu.memory_space<hbm>> -> memref<25600xi32, #tpu.memory_space<hbm>>
      %dma_wait3A_373 = arith.constant 0 : i32
      %dma_wait3A_374 = tpu.memref_slice %arg7[%dma_wait3A_373] : memref<25616xi32, #tpu.memory_space<vmem>> -> memref<25600xi32, #tpu.memory_space<vmem>>
      %dma_wait3A_375 = tpu.memref_slice %arg2[%mul3A_2] : memref<819200xi32, #tpu.memory_space<hbm>> -> memref<25600xi32, #tpu.memory_space<hbm>>
      tpu.wait_dma2 semaphore(%run_scoped3A : memref<!tpu.dma_semaphore, #tpu.memory_space<semaphore_mem>>) src(%dma_wait3A_375 : memref<25600xi32, #tpu.memory_space<hbm>>) dst(%dma_wait3A_374 : memref<25600xi32, #tpu.memory_space<vmem>>)
      tpu.yield
    }) : () -> ()
    "tpu.region"() ({
      %run_scoped3A = tpu.sem_alloc : memref<!tpu.dma_semaphore, #tpu.memory_space<semaphore_mem>>
      %dma_start3A = arith.constant 0 : i32
      %dma_start3A_365 = tpu.memref_slice %arg8[%dma_start3A] : memref<25616xi32, #tpu.memory_space<vmem>> -> memref<25600xi32, #tpu.memory_space<vmem>>
      %dma_start3A_366 = tpu.memref_slice %arg3[%mul3A_2] : memref<819200xi32, #tpu.memory_space<hbm>> -> memref<25600xi32, #tpu.memory_space<hbm>>
      %dma_start3A_367 = arith.constant 0 : i32
      %dma_start3A_368 = tpu.memref_slice %arg8[%dma_start3A_367] : memref<25616xi32, #tpu.memory_space<vmem>> -> memref<25600xi32, #tpu.memory_space<vmem>>
      %dma_start3A_369 = tpu.memref_slice %arg3[%mul3A_2] : memref<819200xi32, #tpu.memory_space<hbm>> -> memref<25600xi32, #tpu.memory_space<hbm>>
      tpu.enqueue_dma source(%dma_start3A_369 : memref<25600xi32, #tpu.memory_space<hbm>>) target(%dma_start3A_368 : memref<25600xi32, #tpu.memory_space<vmem>>) target_semaphore(%run_scoped3A : memref<!tpu.dma_semaphore, #tpu.memory_space<semaphore_mem>>)
      %dma_wait3A_370 = arith.constant 0 : i32
      %dma_wait3A_371 = tpu.memref_slice %arg8[%dma_wait3A_370] : memref<25616xi32, #tpu.memory_space<vmem>> -> memref<25600xi32, #tpu.memory_space<vmem>>
      %dma_wait3A_372 = tpu.memref_slice %arg3[%mul3A_2] : memref<819200xi32, #tpu.memory_space<hbm>> -> memref<25600xi32, #tpu.memory_space<hbm>>
      %dma_wait3A_373 = arith.constant 0 : i32
      %dma_wait3A_374 = tpu.memref_slice %arg8[%dma_wait3A_373] : memref<25616xi32, #tpu.memory_space<vmem>> -> memref<25600xi32, #tpu.memory_space<vmem>>
      %dma_wait3A_375 = tpu.memref_slice %arg3[%mul3A_2] : memref<819200xi32, #tpu.memory_space<hbm>> -> memref<25600xi32, #tpu.memory_space<hbm>>
      tpu.wait_dma2 semaphore(%run_scoped3A : memref<!tpu.dma_semaphore, #tpu.memory_space<semaphore_mem>>) src(%dma_wait3A_375 : memref<25600xi32, #tpu.memory_space<hbm>>) dst(%dma_wait3A_374 : memref<25600xi32, #tpu.memory_space<vmem>>)
      tpu.yield
    }) : () -> ()
    "tpu.region"() ({
      %run_scoped3A = tpu.sem_alloc : memref<!tpu.dma_semaphore, #tpu.memory_space<semaphore_mem>>
      tpu.enqueue_dma source(%arg5 : memref<256xf32, #tpu.memory_space<hbm>>) target(%arg12 : memref<256xf32, #tpu.memory_space<vmem>>) target_semaphore(%run_scoped3A : memref<!tpu.dma_semaphore, #tpu.memory_space<semaphore_mem>>)
      tpu.wait_dma2 semaphore(%run_scoped3A : memref<!tpu.dma_semaphore, #tpu.memory_space<semaphore_mem>>) src(%arg5 : memref<256xf32, #tpu.memory_space<hbm>>) dst(%arg12 : memref<256xf32, #tpu.memory_space<vmem>>)
      tpu.yield
    }) : () -> ()
    %iota3A = tpu.iota {dimensions = array<i32: 0>} : vector<16xi32>
    %add3A_3 = arith.constant 100000 : i32
    %add3A_4 = vector.broadcast %add3A_3 : i32 to vector<16xi32>
    %add3A_5 = arith.addi %add3A_4, %iota3A : vector<16xi32>
    %swap3A = arith.constant 0 : i32
    %swap3A_6 = arith.index_cast %swap3A : i32 to index
    %swap3A_7 = arith.constant 0 : index
    %swap3A_8 = tpu.vector_load %arg9[%swap3A_6, %swap3A_7] {strides = array<i32>} : memref<4x80xi32, #tpu.memory_space<vmem>>, vector<16xi32>,
    tpu.vector_store %arg9[%swap3A_6, %swap3A_7], %add3A_5 {strides = array<i32>} : memref<4x80xi32, #tpu.memory_space<vmem>>, vector<16xi32>,
    %add3A_9 = arith.constant 100016 : i32
    %add3A_10 = vector.broadcast %add3A_9 : i32 to vector<16xi32>
    %add3A_11 = arith.addi %add3A_10, %iota3A : vector<16xi32>
    %swap3A_12 = arith.constant 0 : i32
    %swap3A_13 = arith.index_cast %swap3A_12 : i32 to index
    %swap3A_14 = arith.constant 16 : index
    %swap3A_15 = tpu.vector_load %arg9[%swap3A_13, %swap3A_14] {strides = array<i32>} : memref<4x80xi32, #tpu.memory_space<vmem>>, vector<16xi32>,
    tpu.vector_store %arg9[%swap3A_13, %swap3A_14], %add3A_11 {strides = array<i32>} : memref<4x80xi32, #tpu.memory_space<vmem>>, vector<16xi32>,
    %add3A_16 = arith.constant 100032 : i32
    %add3A_17 = vector.broadcast %add3A_16 : i32 to vector<16xi32>
    %add3A_18 = arith.addi %add3A_17, %iota3A : vector<16xi32>
    %swap3A_19 = arith.constant 0 : i32
    %swap3A_20 = arith.index_cast %swap3A_19 : i32 to index
    %swap3A_21 = arith.constant 32 : index
    %swap3A_22 = tpu.vector_load %arg9[%swap3A_20, %swap3A_21] {strides = array<i32>} : memref<4x80xi32, #tpu.memory_space<vmem>>, vector<16xi32>,
    tpu.vector_store %arg9[%swap3A_20, %swap3A_21], %add3A_18 {strides = array<i32>} : memref<4x80xi32, #tpu.memory_space<vmem>>, vector<16xi32>,
    %add3A_23 = arith.constant 100048 : i32
    %add3A_24 = vector.broadcast %add3A_23 : i32 to vector<16xi32>
    %add3A_25 = arith.addi %add3A_24, %iota3A : vector<16xi32>
    %swap3A_26 = arith.constant 0 : i32
    %swap3A_27 = arith.index_cast %swap3A_26 : i32 to index
    %swap3A_28 = arith.constant 48 : index
    %swap3A_29 = tpu.vector_load %arg9[%swap3A_27, %swap3A_28] {strides = array<i32>} : memref<4x80xi32, #tpu.memory_space<vmem>>, vector<16xi32>,
    tpu.vector_store %arg9[%swap3A_27, %swap3A_28], %add3A_25 {strides = array<i32>} : memref<4x80xi32, #tpu.memory_space<vmem>>, vector<16xi32>,
    %add3A_30 = arith.constant 100064 : i32
    %add3A_31 = vector.broadcast %add3A_30 : i32 to vector<16xi32>
    %add3A_32 = arith.addi %add3A_31, %iota3A : vector<16xi32>
    %swap3A_33 = arith.constant 0 : i32
    %swap3A_34 = arith.index_cast %swap3A_33 : i32 to index
    %swap3A_35 = arith.constant 64 : index
    %swap3A_36 = tpu.vector_load %arg9[%swap3A_34, %swap3A_35] {strides = array<i32>} : memref<4x80xi32, #tpu.memory_space<vmem>>, vector<16xi32>,
    tpu.vector_store %arg9[%swap3A_34, %swap3A_35], %add3A_32 {strides = array<i32>} : memref<4x80xi32, #tpu.memory_space<vmem>>, vector<16xi32>,
    %get3A = arith.constant 0 : index
    %get3A_37 = tpu.vector_load %arg7[%get3A] {strides = array<i32>} : memref<25616xi32, #tpu.memory_space<vmem>>, vector<16xi32>,
    %get3A_38 = arith.constant 0 : index
    %get3A_39 = tpu.vector_load %arg8[%get3A_38] {strides = array<i32>} : memref<25616xi32, #tpu.memory_space<vmem>>, vector<16xi32>,
    %ne3A = arith.constant 0 : i32
    %ne3A_40 = vector.broadcast %ne3A : i32 to vector<16xi32>
    %ne3A_41 = arith.cmpi ne, %get3A_39, %ne3A_40 : vector<16xi32>
    %swap3A_42 = arith.constant 0 : i32
    %swap3A_43 = arith.constant 0 : i32
    %swap3A_44 = arith.index_cast %swap3A_42 : i32 to index
    %swap3A_45 = arith.index_cast %swap3A_43 : i32 to index
    %swap3A_46 = tpu.vector_load %arg9[%swap3A_44, %swap3A_45] masked %ne3A_41 {strides = array<i32>} : memref<4x80xi32, #tpu.memory_space<vmem>>, vector<16xi32>, vector<16xi1>
    tpu.vector_store %arg9[%swap3A_44, %swap3A_45], %get3A_37 masked %ne3A_41 {strides = array<i32>} : memref<4x80xi32, #tpu.memory_space<vmem>>, vector<16xi32>, vector<16xi1>
    %all_reduce_population_count3A = tpu.all_reduce %ne3A_41 {dim = 0 : i64, kind = #tpu.reduction_kind<sum>} : vector<16xi1> -> vector<16xi32>
    %slice3A = vector.extract_strided_slice %all_reduce_population_count3A {offsets = [0], sizes = [1], strides = [1]} : vector<16xi32> to vector<1xi32>
    %squeeze3A = vector.extract %slice3A[0] : i32 from vector<1xi32>
    %add3A_47 = arith.constant 0 : i32
    %add3A_48 = arith.addi %add3A_47, %squeeze3A : i32
    %get3A_49 = arith.constant 16 : index
    %get3A_50 = tpu.vector_load %arg7[%get3A_49] {strides = array<i32>} : memref<25616xi32, #tpu.memory_space<vmem>>, vector<16xi32>,
    %get3A_51 = arith.constant 16 : index
    %get3A_52 = tpu.vector_load %arg8[%get3A_51] {strides = array<i32>} : memref<25616xi32, #tpu.memory_space<vmem>>, vector<16xi32>,
    %ne3A_53 = arith.constant 0 : i32
    %ne3A_54 = vector.broadcast %ne3A_53 : i32 to vector<16xi32>
    %ne3A_55 = arith.cmpi ne, %get3A_52, %ne3A_54 : vector<16xi32>
    %swap3A_56 = arith.constant 0 : i32
    %swap3A_57 = arith.index_cast %swap3A_56 : i32 to index
    %swap3A_58 = arith.index_cast %add3A_48 : i32 to index
    %swap3A_59 = tpu.vector_load %arg9[%swap3A_57, %swap3A_58] masked %ne3A_55 {strides = array<i32>} : memref<4x80xi32, #tpu.memory_space<vmem>>, vector<16xi32>, vector<16xi1>
    tpu.vector_store %arg9[%swap3A_57, %swap3A_58], %get3A_50 masked %ne3A_55 {strides = array<i32>} : memref<4x80xi32, #tpu.memory_space<vmem>>, vector<16xi32>, vector<16xi1>
    %all_reduce_population_count3A_60 = tpu.all_reduce %ne3A_55 {dim = 0 : i64, kind = #tpu.reduction_kind<sum>} : vector<16xi1> -> vector<16xi32>
    %slice3A_61 = vector.extract_strided_slice %all_reduce_population_count3A_60 {offsets = [0], sizes = [1], strides = [1]} : vector<16xi32> to vector<1xi32>
    %squeeze3A_62 = vector.extract %slice3A_61[0] : i32 from vector<1xi32>
    %add3A_63 = arith.addi %add3A_48, %squeeze3A_62 : i32
    %get3A_64 = arith.constant 32 : index
    %get3A_65 = tpu.vector_load %arg7[%get3A_64] {strides = array<i32>} : memref<25616xi32, #tpu.memory_space<vmem>>, vector<16xi32>,
    %get3A_66 = arith.constant 32 : index
    %get3A_67 = tpu.vector_load %arg8[%get3A_66] {strides = array<i32>} : memref<25616xi32, #tpu.memory_space<vmem>>, vector<16xi32>,
    %ne3A_68 = arith.constant 0 : i32
    %ne3A_69 = vector.broadcast %ne3A_68 : i32 to vector<16xi32>
    %ne3A_70 = arith.cmpi ne, %get3A_67, %ne3A_69 : vector<16xi32>
    %swap3A_71 = arith.constant 0 : i32
    %swap3A_72 = arith.index_cast %swap3A_71 : i32 to index
    %swap3A_73 = arith.index_cast %add3A_63 : i32 to index
    %swap3A_74 = tpu.vector_load %arg9[%swap3A_72, %swap3A_73] masked %ne3A_70 {strides = array<i32>} : memref<4x80xi32, #tpu.memory_space<vmem>>, vector<16xi32>, vector<16xi1>
    tpu.vector_store %arg9[%swap3A_72, %swap3A_73], %get3A_65 masked %ne3A_70 {strides = array<i32>} : memref<4x80xi32, #tpu.memory_space<vmem>>, vector<16xi32>, vector<16xi1>
    %all_reduce_population_count3A_75 = tpu.all_reduce %ne3A_70 {dim = 0 : i64, kind = #tpu.reduction_kind<sum>} : vector<16xi1> -> vector<16xi32>
    %slice3A_76 = vector.extract_strided_slice %all_reduce_population_count3A_75 {offsets = [0], sizes = [1], strides = [1]} : vector<16xi32> to vector<1xi32>
    %squeeze3A_77 = vector.extract %slice3A_76[0] : i32 from vector<1xi32>
    %add3A_78 = arith.addi %add3A_63, %squeeze3A_77 : i32
    %get3A_79 = arith.constant 48 : index
    %get3A_80 = tpu.vector_load %arg7[%get3A_79] {strides = array<i32>} : memref<25616xi32, #tpu.memory_space<vmem>>, vector<16xi32>,
    %get3A_81 = arith.constant 48 : index
    %get3A_82 = tpu.vector_load %arg8[%get3A_81] {strides = array<i32>} : memref<25616xi32, #tpu.memory_space<vmem>>, vector<16xi32>,
    %ne3A_83 = arith.constant 0 : i32
    %ne3A_84 = vector.broadcast %ne3A_83 : i32 to vector<16xi32>
    %ne3A_85 = arith.cmpi ne, %get3A_82, %ne3A_84 : vector<16xi32>
    %lt3A = arith.constant 2 : i32
    %lt3A_86 = vector.broadcast %lt3A : i32 to vector<16xi32>
    %lt3A_87 = arith.cmpi slt, %iota3A, %lt3A_86 : vector<16xi32>
    %and3A = arith.andi %ne3A_85, %lt3A_87 : vector<16xi1>
    %swap3A_88 = arith.constant 0 : i32
    %swap3A_89 = arith.index_cast %swap3A_88 : i32 to index
    %swap3A_90 = arith.index_cast %add3A_78 : i32 to index
    %swap3A_91 = tpu.vector_load %arg9[%swap3A_89, %swap3A_90] masked %and3A {strides = array<i32>} : memref<4x80xi32, #tpu.memory_space<vmem>>, vector<16xi32>, vector<16xi1>
    tpu.vector_store %arg9[%swap3A_89, %swap3A_90], %get3A_80 masked %and3A {strides = array<i32>} : memref<4x80xi32, #tpu.memory_space<vmem>>, vector<16xi32>, vector<16xi1>
    %all_reduce_population_count3A_92 = tpu.all_reduce %and3A {dim = 0 : i64, kind = #tpu.reduction_kind<sum>} : vector<16xi1> -> vector<16xi32>
    %slice3A_93 = vector.extract_strided_slice %all_reduce_population_count3A_92 {offsets = [0], sizes = [1], strides = [1]} : vector<16xi32> to vector<1xi32>
    %squeeze3A_94 = vector.extract %slice3A_93[0] : i32 from vector<1xi32>
    %add3A_95 = arith.addi %add3A_78, %squeeze3A_94 : i32
    %add3A_96 = arith.constant 7 : i32
    %add3A_97 = arith.addi %add3A_95, %add3A_96 : i32
    %shift_right_arithmetic3A = arith.constant 3 : i32
    %shift_right_arithmetic3A_98 = arith.shrsi %add3A_97, %shift_right_arithmetic3A : i32
    %while3A = arith.constant 0 : i32
    %while3A_99 = arith.constant 0 : i32
    %while3A_100 = arith.subi %shift_right_arithmetic3A_98, %while3A_99 : i32
    %while3A_101 = arith.addi %while3A_99, %while3A_100 : i32
    %while3A_102 = arith.constant 1 : i32
    %while3A_103 = arith.divsi %while3A_100, %while3A_102 : i32
    %while3A_104 = arith.muli %while3A_103, %while3A_102 : i32
    %while3A_105 = arith.addi %while3A_99, %while3A_104 : i32
    %while3A_106 = arith.constant 1 : i32
    scf.for %while3A_365 = %while3A_99 to %while3A_105 step %while3A_106  : i32 {
      %mul3A_366 = arith.constant 8 : i32
      %mul3A_367 = arith.muli %while3A_365, %mul3A_366 : i32
      %mul3A_368 = arith.constant 8 : i32
      %mul3A_369 = arith.muli %while3A_365, %mul3A_368 : i32
      %dma_start3A = arith.constant 0 : i32
      %dma_start3A_370 = arith.constant 0 : i32
      %dma_start3A_371 = arith.constant 0 : i32
      %dma_start3A_372 = tpu.memref_slice %arg10[%dma_start3A_370, %mul3A_369, %dma_start3A_371] : memref<4x64x128xi32, #tpu.memory_space<vmem>> -> memref<1x8x128xi32, #tpu.memory_space<vmem>>
      %dma_start3A_373 = tpu.memref_squeeze %dma_start3A_372 : memref<1x8x128xi32, #tpu.memory_space<vmem>> -> memref<8x128xi32, #tpu.memory_space<vmem>>
      %dma_start3A_374 = tpu.memref_slice %arg9[%dma_start3A, %mul3A_367] : memref<4x80xi32, #tpu.memory_space<vmem>> -> memref<1x8xi32, #tpu.memory_space<vmem>>
      %dma_start3A_375 = tpu.memref_squeeze %dma_start3A_374 : memref<1x8xi32, #tpu.memory_space<vmem>> -> memref<8xi32, #tpu.memory_space<vmem>>
      %dma_start3A_376 = arith.constant 0 : i32
      %dma_start3A_377 = arith.constant 0 : i32
      %dma_start3A_378 = tpu.memref_slice %arg4[%dma_start3A_376, %dma_start3A_377] : memref<102000x128xi32, #tpu.memory_space<hbm>> -> memref<102000x128xi32, #tpu.memory_space<hbm>>
      tpu.enqueue_indirect_dma source(%dma_start3A_378 : memref<102000x128xi32, #tpu.memory_space<hbm>>) target(%dma_start3A_373 : memref<8x128xi32, #tpu.memory_space<vmem>>) offsets(%dma_start3A_375 : memref<8xi32, #tpu.memory_space<vmem>>) semaphore(%arg13 : memref<!tpu.dma_semaphore, #tpu.memory_space<semaphore_mem>>)
    }
    %while3A_107 = arith.constant 1 : i32
    scf.for %while3A_365 = %while3A_105 to %while3A_101 step %while3A_107  : i32 {
      %mul3A_366 = arith.constant 8 : i32
      %mul3A_367 = arith.muli %while3A_365, %mul3A_366 : i32
      %mul3A_368 = arith.constant 8 : i32
      %mul3A_369 = arith.muli %while3A_365, %mul3A_368 : i32
      %dma_start3A = arith.constant 0 : i32
      %dma_start3A_370 = arith.constant 0 : i32
      %dma_start3A_371 = arith.constant 0 : i32
      %dma_start3A_372 = tpu.memref_slice %arg10[%dma_start3A_370, %mul3A_369, %dma_start3A_371] : memref<4x64x128xi32, #tpu.memory_space<vmem>> -> memref<1x8x128xi32, #tpu.memory_space<vmem>>
      %dma_start3A_373 = tpu.memref_squeeze %dma_start3A_372 : memref<1x8x128xi32, #tpu.memory_space<vmem>> -> memref<8x128xi32, #tpu.memory_space<vmem>>
      %dma_start3A_374 = tpu.memref_slice %arg9[%dma_start3A, %mul3A_367] : memref<4x80xi32, #tpu.memory_space<vmem>> -> memref<1x8xi32, #tpu.memory_space<vmem>>
      %dma_start3A_375 = tpu.memref_squeeze %dma_start3A_374 : memref<1x8xi32, #tpu.memory_space<vmem>> -> memref<8xi32, #tpu.memory_space<vmem>>
      %dma_start3A_376 = arith.constant 0 : i32
      %dma_start3A_377 = arith.constant 0 : i32
      %dma_start3A_378 = tpu.memref_slice %arg4[%dma_start3A_376, %dma_start3A_377] : memref<102000x128xi32, #tpu.memory_space<hbm>> -> memref<102000x128xi32, #tpu.memory_space<hbm>>
      tpu.enqueue_indirect_dma source(%dma_start3A_378 : memref<102000x128xi32, #tpu.memory_space<hbm>>) target(%dma_start3A_373 : memref<8x128xi32, #tpu.memory_space<vmem>>) offsets(%dma_start3A_375 : memref<8xi32, #tpu.memory_space<vmem>>) semaphore(%arg13 : memref<!tpu.dma_semaphore, #tpu.memory_space<semaphore_mem>>)
    }
    %add3A_108 = arith.constant 100080 : i32
    %add3A_109 = vector.broadcast %add3A_108 : i32 to vector<16xi32>
    %add3A_110 = arith.addi %add3A_109, %iota3A : vector<16xi32>
    %swap3A_111 = arith.constant 1 : i32
    %swap3A_112 = arith.index_cast %swap3A_111 : i32 to index
    %swap3A_113 = arith.constant 0 : index
    %swap3A_114 = tpu.vector_load %arg9[%swap3A_112, %swap3A_113] {strides = array<i32>} : memref<4x80xi32, #tpu.memory_space<vmem>>, vector<16xi32>,
    tpu.vector_store %arg9[%swap3A_112, %swap3A_113], %add3A_110 {strides = array<i32>} : memref<4x80xi32, #tpu.memory_space<vmem>>, vector<16xi32>,
    %add3A_115 = arith.constant 100096 : i32
    %add3A_116 = vector.broadcast %add3A_115 : i32 to vector<16xi32>
    %add3A_117 = arith.addi %add3A_116, %iota3A : vector<16xi32>
    %swap3A_118 = arith.constant 1 : i32
    %swap3A_119 = arith.index_cast %swap3A_118 : i32 to index
    %swap3A_120 = arith.constant 16 : index
    %swap3A_121 = tpu.vector_load %arg9[%swap3A_119, %swap3A_120] {strides = array<i32>} : memref<4x80xi32, #tpu.memory_space<vmem>>, vector<16xi32>,
    tpu.vector_store %arg9[%swap3A_119, %swap3A_120], %add3A_117 {strides = array<i32>} : memref<4x80xi32, #tpu.memory_space<vmem>>, vector<16xi32>,
    %add3A_122 = arith.constant 100112 : i32
    %add3A_123 = vector.broadcast %add3A_122 : i32 to vector<16xi32>
    %add3A_124 = arith.addi %add3A_123, %iota3A : vector<16xi32>
    %swap3A_125 = arith.constant 1 : i32
    %swap3A_126 = arith.index_cast %swap3A_125 : i32 to index
    %swap3A_127 = arith.constant 32 : index
    %swap3A_128 = tpu.vector_load %arg9[%swap3A_126, %swap3A_127] {strides = array<i32>} : memref<4x80xi32, #tpu.memory_space<vmem>>, vector<16xi32>,
    tpu.vector_store %arg9[%swap3A_126, %swap3A_127], %add3A_124 {strides = array<i32>} : memref<4x80xi32, #tpu.memory_space<vmem>>, vector<16xi32>,
    %add3A_129 = arith.constant 100128 : i32
    %add3A_130 = vector.broadcast %add3A_129 : i32 to vector<16xi32>
    %add3A_131 = arith.addi %add3A_130, %iota3A : vector<16xi32>
    %swap3A_132 = arith.constant 1 : i32
    %swap3A_133 = arith.index_cast %swap3A_132 : i32 to index
    %swap3A_134 = arith.constant 48 : index
    %swap3A_135 = tpu.vector_load %arg9[%swap3A_133, %swap3A_134] {strides = array<i32>} : memref<4x80xi32, #tpu.memory_space<vmem>>, vector<16xi32>,
    tpu.vector_store %arg9[%swap3A_133, %swap3A_134], %add3A_131 {strides = array<i32>} : memref<4x80xi32, #tpu.memory_space<vmem>>, vector<16xi32>,
    %add3A_136 = arith.constant 100144 : i32
    %add3A_137 = vector.broadcast %add3A_136 : i32 to vector<16xi32>
    %add3A_138 = arith.addi %add3A_137, %iota3A : vector<16xi32>
    %swap3A_139 = arith.constant 1 : i32
    %swap3A_140 = arith.index_cast %swap3A_139 : i32 to index
    %swap3A_141 = arith.constant 64 : index
    %swap3A_142 = tpu.vector_load %arg9[%swap3A_140, %swap3A_141] {strides = array<i32>} : memref<4x80xi32, #tpu.memory_space<vmem>>, vector<16xi32>,
    tpu.vector_store %arg9[%swap3A_140, %swap3A_141], %add3A_138 {strides = array<i32>} : memref<4x80xi32, #tpu.memory_space<vmem>>, vector<16xi32>,
    %get3A_143 = arith.constant 50 : index
    %get3A_144 = tpu.vector_load %arg7[%get3A_143] {strides = array<i32>} : memref<25616xi32, #tpu.memory_space<vmem>>, vector<16xi32>,
    %get3A_145 = arith.constant 50 : index
    %get3A_146 = tpu.vector_load %arg8[%get3A_145] {strides = array<i32>} : memref<25616xi32, #tpu.memory_space<vmem>>, vector<16xi32>,
    %ne3A_147 = arith.constant 0 : i32
    %ne3A_148 = vector.broadcast %ne3A_147 : i32 to vector<16xi32>
    %ne3A_149 = arith.cmpi ne, %get3A_146, %ne3A_148 : vector<16xi32>
    %swap3A_150 = arith.constant 1 : i32
    %swap3A_151 = arith.constant 0 : i32
    %swap3A_152 = arith.index_cast %swap3A_150 : i32 to index
    %swap3A_153 = arith.index_cast %swap3A_151 : i32 to index
    %swap3A_154 = tpu.vector_load %arg9[%swap3A_152, %swap3A_153] masked %ne3A_149 {strides = array<i32>} : memref<4x80xi32, #tpu.memory_space<vmem>>, vector<16xi32>, vector<16xi1>
    tpu.vector_store %arg9[%swap3A_152, %swap3A_153], %get3A_144 masked %ne3A_149 {strides = array<i32>} : memref<4x80xi32, #tpu.memory_space<vmem>>, vector<16xi32>, vector<16xi1>
    %all_reduce_population_count3A_155 = tpu.all_reduce %ne3A_149 {dim = 0 : i64, kind = #tpu.reduction_kind<sum>} : vector<16xi1> -> vector<16xi32>
    %slice3A_156 = vector.extract_strided_slice %all_reduce_population_count3A_155 {offsets = [0], sizes = [1], strides = [1]} : vector<16xi32> to vector<1xi32>
    %squeeze3A_157 = vector.extract %slice3A_156[0] : i32 from vector<1xi32>
    %add3A_158 = arith.constant 0 : i32
    %add3A_159 = arith.addi %add3A_158, %squeeze3A_157 : i32
    %get3A_160 = arith.constant 66 : index
    %get3A_161 = tpu.vector_load %arg7[%get3A_160] {strides = array<i32>} : memref<25616xi32, #tpu.memory_space<vmem>>, vector<16xi32>,
    %get3A_162 = arith.constant 66 : index
    %get3A_163 = tpu.vector_load %arg8[%get3A_162] {strides = array<i32>} : memref<25616xi32, #tpu.memory_space<vmem>>, vector<16xi32>,
    %ne3A_164 = arith.constant 0 : i32
    %ne3A_165 = vector.broadcast %ne3A_164 : i32 to vector<16xi32>
    %ne3A_166 = arith.cmpi ne, %get3A_163, %ne3A_165 : vector<16xi32>
    %swap3A_167 = arith.constant 1 : i32
    %swap3A_168 = arith.index_cast %swap3A_167 : i32 to index
    %swap3A_169 = arith.index_cast %add3A_159 : i32 to index
    %swap3A_170 = tpu.vector_load %arg9[%swap3A_168, %swap3A_169] masked %ne3A_166 {strides = array<i32>} : memref<4x80xi32, #tpu.memory_space<vmem>>, vector<16xi32>, vector<16xi1>
    tpu.vector_store %arg9[%swap3A_168, %swap3A_169], %get3A_161 masked %ne3A_166 {strides = array<i32>} : memref<4x80xi32, #tpu.memory_space<vmem>>, vector<16xi32>, vector<16xi1>
    %all_reduce_population_count3A_171 = tpu.all_reduce %ne3A_166 {dim = 0 : i64, kind = #tpu.reduction_kind<sum>} : vector<16xi1> -> vector<16xi32>
    %slice3A_172 = vector.extract_strided_slice %all_reduce_population_count3A_171 {offsets = [0], sizes = [1], strides = [1]} : vector<16xi32> to vector<1xi32>
    %squeeze3A_173 = vector.extract %slice3A_172[0] : i32 from vector<1xi32>
    %add3A_174 = arith.addi %add3A_159, %squeeze3A_173 : i32
    %get3A_175 = arith.constant 82 : index
    %get3A_176 = tpu.vector_load %arg7[%get3A_175] {strides = array<i32>} : memref<25616xi32, #tpu.memory_space<vmem>>, vector<16xi32>,
    %get3A_177 = arith.constant 82 : index
    %get3A_178 = tpu.vector_load %arg8[%get3A_177] {strides = array<i32>} : memref<25616xi32, #tpu.memory_space<vmem>>, vector<16xi32>,
    %ne3A_179 = arith.constant 0 : i32
    %ne3A_180 = vector.broadcast %ne3A_179 : i32 to vector<16xi32>
    %ne3A_181 = arith.cmpi ne, %get3A_178, %ne3A_180 : vector<16xi32>
    %swap3A_182 = arith.constant 1 : i32
    %swap3A_183 = arith.index_cast %swap3A_182 : i32 to index
    %swap3A_184 = arith.index_cast %add3A_174 : i32 to index
    %swap3A_185 = tpu.vector_load %arg9[%swap3A_183, %swap3A_184] masked %ne3A_181 {strides = array<i32>} : memref<4x80xi32, #tpu.memory_space<vmem>>, vector<16xi32>, vector<16xi1>
    tpu.vector_store %arg9[%swap3A_183, %swap3A_184], %get3A_176 masked %ne3A_181 {strides = array<i32>} : memref<4x80xi32, #tpu.memory_space<vmem>>, vector<16xi32>, vector<16xi1>
    %all_reduce_population_count3A_186 = tpu.all_reduce %ne3A_181 {dim = 0 : i64, kind = #tpu.reduction_kind<sum>} : vector<16xi1> -> vector<16xi32>
    %slice3A_187 = vector.extract_strided_slice %all_reduce_population_count3A_186 {offsets = [0], sizes = [1], strides = [1]} : vector<16xi32> to vector<1xi32>
    %squeeze3A_188 = vector.extract %slice3A_187[0] : i32 from vector<1xi32>
    %add3A_189 = arith.addi %add3A_174, %squeeze3A_188 : i32
    %get3A_190 = arith.constant 98 : index
    %get3A_191 = tpu.vector_load %arg7[%get3A_190] {strides = array<i32>} : memref<25616xi32, #tpu.memory_space<vmem>>, vector<16xi32>,
    %get3A_192 = arith.constant 98 : index
    %get3A_193 = tpu.vector_load %arg8[%get3A_192] {strides = array<i32>} : memref<25616xi32, #tpu.memory_space<vmem>>, vector<16xi32>,
    %ne3A_194 = arith.constant 0 : i32
    %ne3A_195 = vector.broadcast %ne3A_194 : i32 to vector<16xi32>
    %ne3A_196 = arith.cmpi ne, %get3A_193, %ne3A_195 : vector<16xi32>
    %lt3A_197 = arith.constant 2 : i32
    %lt3A_198 = vector.broadcast %lt3A_197 : i32 to vector<16xi32>
    %lt3A_199 = arith.cmpi slt, %iota3A, %lt3A_198 : vector<16xi32>
    %and3A_200 = arith.andi %ne3A_196, %lt3A_199 : vector<16xi1>
    %swap3A_201 = arith.constant 1 : i32
    %swap3A_202 = arith.index_cast %swap3A_201 : i32 to index
    %swap3A_203 = arith.index_cast %add3A_189 : i32 to index
    %swap3A_204 = tpu.vector_load %arg9[%swap3A_202, %swap3A_203] masked %and3A_200 {strides = array<i32>} : memref<4x80xi32, #tpu.memory_space<vmem>>, vector<16xi32>, vector<16xi1>
    tpu.vector_store %arg9[%swap3A_202, %swap3A_203], %get3A_191 masked %and3A_200 {strides = array<i32>} : memref<4x80xi32, #tpu.memory_space<vmem>>, vector<16xi32>, vector<16xi1>
    %all_reduce_population_count3A_205 = tpu.all_reduce %and3A_200 {dim = 0 : i64, kind = #tpu.reduction_kind<sum>} : vector<16xi1> -> vector<16xi32>
    %slice3A_206 = vector.extract_strided_slice %all_reduce_population_count3A_205 {offsets = [0], sizes = [1], strides = [1]} : vector<16xi32> to vector<1xi32>
    %squeeze3A_207 = vector.extract %slice3A_206[0] : i32 from vector<1xi32>
    %add3A_208 = arith.addi %add3A_189, %squeeze3A_207 : i32
    %add3A_209 = arith.constant 7 : i32
    %add3A_210 = arith.addi %add3A_208, %add3A_209 : i32
    %shift_right_arithmetic3A_211 = arith.constant 3 : i32
    %shift_right_arithmetic3A_212 = arith.shrsi %add3A_210, %shift_right_arithmetic3A_211 : i32
    %while3A_213 = arith.constant 0 : i32
    %while3A_214 = arith.constant 0 : i32
    %while3A_215 = arith.subi %shift_right_arithmetic3A_212, %while3A_214 : i32
    %while3A_216 = arith.addi %while3A_214, %while3A_215 : i32
    %while3A_217 = arith.constant 1 : i32
    %while3A_218 = arith.divsi %while3A_215, %while3A_217 : i32
    %while3A_219 = arith.muli %while3A_218, %while3A_217 : i32
    %while3A_220 = arith.addi %while3A_214, %while3A_219 : i32
    %while3A_221 = arith.constant 1 : i32
    scf.for %while3A_365 = %while3A_214 to %while3A_220 step %while3A_221  : i32 {
      %mul3A_366 = arith.constant 8 : i32
      %mul3A_367 = arith.muli %while3A_365, %mul3A_366 : i32
      %mul3A_368 = arith.constant 8 : i32
      %mul3A_369 = arith.muli %while3A_365, %mul3A_368 : i32
      %dma_start3A = arith.constant 1 : i32
      %dma_start3A_370 = arith.constant 1 : i32
      %dma_start3A_371 = arith.constant 0 : i32
      %dma_start3A_372 = tpu.memref_slice %arg10[%dma_start3A_370, %mul3A_369, %dma_start3A_371] : memref<4x64x128xi32, #tpu.memory_space<vmem>> -> memref<1x8x128xi32, #tpu.memory_space<vmem>>
      %dma_start3A_373 = tpu.memref_squeeze %dma_start3A_372 : memref<1x8x128xi32, #tpu.memory_space<vmem>> -> memref<8x128xi32, #tpu.memory_space<vmem>>
      %dma_start3A_374 = tpu.memref_slice %arg9[%dma_start3A, %mul3A_367] : memref<4x80xi32, #tpu.memory_space<vmem>> -> memref<1x8xi32, #tpu.memory_space<vmem>>
      %dma_start3A_375 = tpu.memref_squeeze %dma_start3A_374 : memref<1x8xi32, #tpu.memory_space<vmem>> -> memref<8xi32, #tpu.memory_space<vmem>>
      %dma_start3A_376 = arith.constant 0 : i32
      %dma_start3A_377 = arith.constant 0 : i32
      %dma_start3A_378 = tpu.memref_slice %arg4[%dma_start3A_376, %dma_start3A_377] : memref<102000x128xi32, #tpu.memory_space<hbm>> -> memref<102000x128xi32, #tpu.memory_space<hbm>>
      tpu.enqueue_indirect_dma source(%dma_start3A_378 : memref<102000x128xi32, #tpu.memory_space<hbm>>) target(%dma_start3A_373 : memref<8x128xi32, #tpu.memory_space<vmem>>) offsets(%dma_start3A_375 : memref<8xi32, #tpu.memory_space<vmem>>) semaphore(%arg13 : memref<!tpu.dma_semaphore, #tpu.memory_space<semaphore_mem>>)
    }
    %while3A_222 = arith.constant 1 : i32
    scf.for %while3A_365 = %while3A_220 to %while3A_216 step %while3A_222  : i32 {
      %mul3A_366 = arith.constant 8 : i32
      %mul3A_367 = arith.muli %while3A_365, %mul3A_366 : i32
      %mul3A_368 = arith.constant 8 : i32
      %mul3A_369 = arith.muli %while3A_365, %mul3A_368 : i32
      %dma_start3A = arith.constant 1 : i32
      %dma_start3A_370 = arith.constant 1 : i32
      %dma_start3A_371 = arith.constant 0 : i32
      %dma_start3A_372 = tpu.memref_slice %arg10[%dma_start3A_370, %mul3A_369, %dma_start3A_371] : memref<4x64x128xi32, #tpu.memory_space<vmem>> -> memref<1x8x128xi32, #tpu.memory_space<vmem>>
      %dma_start3A_373 = tpu.memref_squeeze %dma_start3A_372 : memref<1x8x128xi32, #tpu.memory_space<vmem>> -> memref<8x128xi32, #tpu.memory_space<vmem>>
      %dma_start3A_374 = tpu.memref_slice %arg9[%dma_start3A, %mul3A_367] : memref<4x80xi32, #tpu.memory_space<vmem>> -> memref<1x8xi32, #tpu.memory_space<vmem>>
      %dma_start3A_375 = tpu.memref_squeeze %dma_start3A_374 : memref<1x8xi32, #tpu.memory_space<vmem>> -> memref<8xi32, #tpu.memory_space<vmem>>
      %dma_start3A_376 = arith.constant 0 : i32
      %dma_start3A_377 = arith.constant 0 : i32
      %dma_start3A_378 = tpu.memref_slice %arg4[%dma_start3A_376, %dma_start3A_377] : memref<102000x128xi32, #tpu.memory_space<hbm>> -> memref<102000x128xi32, #tpu.memory_space<hbm>>
      tpu.enqueue_indirect_dma source(%dma_start3A_378 : memref<102000x128xi32, #tpu.memory_space<hbm>>) target(%dma_start3A_373 : memref<8x128xi32, #tpu.memory_space<vmem>>) offsets(%dma_start3A_375 : memref<8xi32, #tpu.memory_space<vmem>>) semaphore(%arg13 : memref<!tpu.dma_semaphore, #tpu.memory_space<semaphore_mem>>)
    }
    %add3A_223 = arith.constant 100160 : i32
    %add3A_224 = vector.broadcast %add3A_223 : i32 to vector<16xi32>
    %add3A_225 = arith.addi %add3A_224, %iota3A : vector<16xi32>
    %swap3A_226 = arith.constant 2 : i32
    %swap3A_227 = arith.index_cast %swap3A_226 : i32 to index
    %swap3A_228 = arith.constant 0 : index
    %swap3A_229 = tpu.vector_load %arg9[%swap3A_227, %swap3A_228] {strides = array<i32>} : memref<4x80xi32, #tpu.memory_space<vmem>>, vector<16xi32>,
    tpu.vector_store %arg9[%swap3A_227, %swap3A_228], %add3A_225 {strides = array<i32>} : memref<4x80xi32, #tpu.memory_space<vmem>>, vector<16xi32>,
    %add3A_230 = arith.constant 100176 : i32
    %add3A_231 = vector.broadcast %add3A_230 : i32 to vector<16xi32>
    %add3A_232 = arith.addi %add3A_231, %iota3A : vector<16xi32>
    %swap3A_233 = arith.constant 2 : i32
    %swap3A_234 = arith.index_cast %swap3A_233 : i32 to index
    %swap3A_235 = arith.constant 16 : index
    %swap3A_236 = tpu.vector_load %arg9[%swap3A_234, %swap3A_235] {strides = array<i32>} : memref<4x80xi32, #tpu.memory_space<vmem>>, vector<16xi32>,
    tpu.vector_store %arg9[%swap3A_234, %swap3A_235], %add3A_232 {strides = array<i32>} : memref<4x80xi32, #tpu.memory_space<vmem>>, vector<16xi32>,
    %add3A_237 = arith.constant 100192 : i32
    %add3A_238 = vector.broadcast %add3A_237 : i32 to vector<16xi32>
    %add3A_239 = arith.addi %add3A_238, %iota3A : vector<16xi32>
    %swap3A_240 = arith.constant 2 : i32
    %swap3A_241 = arith.index_cast %swap3A_240 : i32 to index
    %swap3A_242 = arith.constant 32 : index
    %swap3A_243 = tpu.vector_load %arg9[%swap3A_241, %swap3A_242] {strides = array<i32>} : memref<4x80xi32, #tpu.memory_space<vmem>>, vector<16xi32>,
    tpu.vector_store %arg9[%swap3A_241, %swap3A_242], %add3A_239 {strides = array<i32>} : memref<4x80xi32, #tpu.memory_space<vmem>>, vector<16xi32>,
    %add3A_244 = arith.constant 100208 : i32
    %add3A_245 = vector.broadcast %add3A_244 : i32 to vector<16xi32>
    %add3A_246 = arith.addi %add3A_245, %iota3A : vector<16xi32>
    %swap3A_247 = arith.constant 2 : i32
    %swap3A_248 = arith.index_cast %swap3A_247 : i32 to index
    %swap3A_249 = arith.constant 48 : index
    %swap3A_250 = tpu.vector_load %arg9[%swap3A_248, %swap3A_249] {strides = array<i32>} : memref<4x80xi32, #tpu.memory_space<vmem>>, vector<16xi32>,
    tpu.vector_store %arg9[%swap3A_248, %swap3A_249], %add3A_246 {strides = array<i32>} : memref<4x80xi32, #tpu.memory_space<vmem>>, vector<16xi32>,
    %add3A_251 = arith.constant 100224 : i32
    %add3A_252 = vector.broadcast %add3A_251 : i32 to vector<16xi32>
    %add3A_253 = arith.addi %add3A_252, %iota3A : vector<16xi32>
    %swap3A_254 = arith.constant 2 : i32
    %swap3A_255 = arith.index_cast %swap3A_254 : i32 to index
    %swap3A_256 = arith.constant 64 : index
    %swap3A_257 = tpu.vector_load %arg9[%swap3A_255, %swap3A_256] {strides = array<i32>} : memref<4x80xi32, #tpu.memory_space<vmem>>, vector<16xi32>,
    tpu.vector_store %arg9[%swap3A_255, %swap3A_256], %add3A_253 {strides = array<i32>} : memref<4x80xi32, #tpu.memory_space<vmem>>, vector<16xi32>,
    %get3A_258 = arith.constant 100 : index
    %get3A_259 = tpu.vector_load %arg7[%get3A_258] {strides = array<i32>} : memref<25616xi32, #tpu.memory_space<vmem>>, vector<16xi32>,
    %get3A_260 = arith.constant 100 : index
    %get3A_261 = tpu.vector_load %arg8[%get3A_260] {strides = array<i32>} : memref<25616xi32, #tpu.memory_space<vmem>>, vector<16xi32>,
    %ne3A_262 = arith.constant 0 : i32
    %ne3A_263 = vector.broadcast %ne3A_262 : i32 to vector<16xi32>
    %ne3A_264 = arith.cmpi ne, %get3A_261, %ne3A_263 : vector<16xi32>
    %swap3A_265 = arith.constant 2 : i32
    %swap3A_266 = arith.constant 0 : i32
    %swap3A_267 = arith.index_cast %swap3A_265 : i32 to index
    %swap3A_268 = arith.index_cast %swap3A_266 : i32 to index
    %swap3A_269 = tpu.vector_load %arg9[%swap3A_267, %swap3A_268] masked %ne3A_264 {strides = array<i32>} : memref<4x80xi32, #tpu.memory_space<vmem>>, vector<16xi32>, vector<16xi1>
    tpu.vector_store %arg9[%swap3A_267, %swap3A_268], %get3A_259 masked %ne3A_264 {strides = array<i32>} : memref<4x80xi32, #tpu.memory_space<vmem>>, vector<16xi32>, vector<16xi1>
    %all_reduce_population_count3A_270 = tpu.all_reduce %ne3A_264 {dim = 0 : i64, kind = #tpu.reduction_kind<sum>} : vector<16xi1> -> vector<16xi32>
    %slice3A_271 = vector.extract_strided_slice %all_reduce_population_count3A_270 {offsets = [0], sizes = [1], strides = [1]} : vector<16xi32> to vector<1xi32>
    %squeeze3A_272 = vector.extract %slice3A_271[0] : i32 from vector<1xi32>
    %add3A_273 = arith.constant 0 : i32
    %add3A_274 = arith.addi %add3A_273, %squeeze3A_272 : i32
    %get3A_275 = arith.constant 116 : index
    %get3A_276 = tpu.vector_load %arg7[%get3A_275] {strides = array<i32>} : memref<25616xi32, #tpu.memory_space<vmem>>, vector<16xi32>,
    %get3A_277 = arith.constant 116 : index
    %get3A_278 = tpu.vector_load %arg8[%get3A_277] {strides = array<i32>} : memref<25616xi32, #tpu.memory_space<vmem>>, vector<16xi32>,
    %ne3A_279 = arith.constant 0 : i32
    %ne3A_280 = vector.broadcast %ne3A_279 : i32 to vector<16xi32>
    %ne3A_281 = arith.cmpi ne, %get3A_278, %ne3A_280 : vector<16xi32>
    %swap3A_282 = arith.constant 2 : i32
    %swap3A_283 = arith.index_cast %swap3A_282 : i32 to index
    %swap3A_284 = arith.index_cast %add3A_274 : i32 to index
    %swap3A_285 = tpu.vector_load %arg9[%swap3A_283, %swap3A_284] masked %ne3A_281 {strides = array<i32>} : memref<4x80xi32, #tpu.memory_space<vmem>>, vector<16xi32>, vector<16xi1>
    tpu.vector_store %arg9[%swap3A_283, %swap3A_284], %get3A_276 masked %ne3A_281 {strides = array<i32>} : memref<4x80xi32, #tpu.memory_space<vmem>>, vector<16xi32>, vector<16xi1>
    %all_reduce_population_count3A_286 = tpu.all_reduce %ne3A_281 {dim = 0 : i64, kind = #tpu.reduction_kind<sum>} : vector<16xi1> -> vector<16xi32>
    %slice3A_287 = vector.extract_strided_slice %all_reduce_population_count3A_286 {offsets = [0], sizes = [1], strides = [1]} : vector<16xi32> to vector<1xi32>
    %squeeze3A_288 = vector.extract %slice3A_287[0] : i32 from vector<1xi32>
    %add3A_289 = arith.addi %add3A_274, %squeeze3A_288 : i32
    %get3A_290 = arith.constant 132 : index
    %get3A_291 = tpu.vector_load %arg7[%get3A_290] {strides = array<i32>} : memref<25616xi32, #tpu.memory_space<vmem>>, vector<16xi32>,
    %get3A_292 = arith.constant 132 : index
    %get3A_293 = tpu.vector_load %arg8[%get3A_292] {strides = array<i32>} : memref<25616xi32, #tpu.memory_space<vmem>>, vector<16xi32>,
    %ne3A_294 = arith.constant 0 : i32
    %ne3A_295 = vector.broadcast %ne3A_294 : i32 to vector<16xi32>
    %ne3A_296 = arith.cmpi ne, %get3A_293, %ne3A_295 : vector<16xi32>
    %swap3A_297 = arith.constant 2 : i32
    %swap3A_298 = arith.index_cast %swap3A_297 : i32 to index
    %swap3A_299 = arith.index_cast %add3A_289 : i32 to index
    %swap3A_300 = tpu.vector_load %arg9[%swap3A_298, %swap3A_299] masked %ne3A_296 {strides = array<i32>} : memref<4x80xi32, #tpu.memory_space<vmem>>, vector<16xi32>, vector<16xi1>
    tpu.vector_store %arg9[%swap3A_298, %swap3A_299], %get3A_291 masked %ne3A_296 {strides = array<i32>} : memref<4x80xi32, #tpu.memory_space<vmem>>, vector<16xi32>, vector<16xi1>
    %all_reduce_population_count3A_301 = tpu.all_reduce %ne3A_296 {dim = 0 : i64, kind = #tpu.reduction_kind<sum>} : vector<16xi1> -> vector<16xi32>
    %slice3A_302 = vector.extract_strided_slice %all_reduce_population_count3A_301 {offsets = [0], sizes = [1], strides = [1]} : vector<16xi32> to vector<1xi32>
    %squeeze3A_303 = vector.extract %slice3A_302[0] : i32 from vector<1xi32>
    %add3A_304 = arith.addi %add3A_289, %squeeze3A_303 : i32
    %get3A_305 = arith.constant 148 : index
    %get3A_306 = tpu.vector_load %arg7[%get3A_305] {strides = array<i32>} : memref<25616xi32, #tpu.memory_space<vmem>>, vector<16xi32>,
    %get3A_307 = arith.constant 148 : index
    %get3A_308 = tpu.vector_load %arg8[%get3A_307] {strides = array<i32>} : memref<25616xi32, #tpu.memory_space<vmem>>, vector<16xi32>,
    %ne3A_309 = arith.constant 0 : i32
    %ne3A_310 = vector.broadcast %ne3A_309 : i32 to vector<16xi32>
    %ne3A_311 = arith.cmpi ne, %get3A_308, %ne3A_310 : vector<16xi32>
    %lt3A_312 = arith.constant 2 : i32
    %lt3A_313 = vector.broadcast %lt3A_312 : i32 to vector<16xi32>
    %lt3A_314 = arith.cmpi slt, %iota3A, %lt3A_313 : vector<16xi32>
    %and3A_315 = arith.andi %ne3A_311, %lt3A_314 : vector<16xi1>
    %swap3A_316 = arith.constant 2 : i32
    %swap3A_317 = arith.index_cast %swap3A_316 : i32 to index
    %swap3A_318 = arith.index_cast %add3A_304 : i32 to index
    %swap3A_319 = tpu.vector_load %arg9[%swap3A_317, %swap3A_318] masked %and3A_315 {strides = array<i32>} : memref<4x80xi32, #tpu.memory_space<vmem>>, vector<16xi32>, vector<16xi1>
    tpu.vector_store %arg9[%swap3A_317, %swap3A_318], %get3A_306 masked %and3A_315 {strides = array<i32>} : memref<4x80xi32, #tpu.memory_space<vmem>>, vector<16xi32>, vector<16xi1>
    %all_reduce_population_count3A_320 = tpu.all_reduce %and3A_315 {dim = 0 : i64, kind = #tpu.reduction_kind<sum>} : vector<16xi1> -> vector<16xi32>
    %slice3A_321 = vector.extract_strided_slice %all_reduce_population_count3A_320 {offsets = [0], sizes = [1], strides = [1]} : vector<16xi32> to vector<1xi32>
    %squeeze3A_322 = vector.extract %slice3A_321[0] : i32 from vector<1xi32>
    %add3A_323 = arith.addi %add3A_304, %squeeze3A_322 : i32
    %add3A_324 = arith.constant 7 : i32
    %add3A_325 = arith.addi %add3A_323, %add3A_324 : i32
    %shift_right_arithmetic3A_326 = arith.constant 3 : i32
    %shift_right_arithmetic3A_327 = arith.shrsi %add3A_325, %shift_right_arithmetic3A_326 : i32
    %while3A_328 = arith.constant 0 : i32
    %while3A_329 = arith.constant 0 : i32
    %while3A_330 = arith.subi %shift_right_arithmetic3A_327, %while3A_329 : i32
    %while3A_331 = arith.addi %while3A_329, %while3A_330 : i32
    %while3A_332 = arith.constant 1 : i32
    %while3A_333 = arith.divsi %while3A_330, %while3A_332 : i32
    %while3A_334 = arith.muli %while3A_333, %while3A_332 : i32
    %while3A_335 = arith.addi %while3A_329, %while3A_334 : i32
    %while3A_336 = arith.constant 1 : i32
    scf.for %while3A_365 = %while3A_329 to %while3A_335 step %while3A_336  : i32 {
      %mul3A_366 = arith.constant 8 : i32
      %mul3A_367 = arith.muli %while3A_365, %mul3A_366 : i32
      %mul3A_368 = arith.constant 8 : i32
      %mul3A_369 = arith.muli %while3A_365, %mul3A_368 : i32
      %dma_start3A = arith.constant 2 : i32
      %dma_start3A_370 = arith.constant 2 : i32
      %dma_start3A_371 = arith.constant 0 : i32
      %dma_start3A_372 = tpu.memref_slice %arg10[%dma_start3A_370, %mul3A_369, %dma_start3A_371] : memref<4x64x128xi32, #tpu.memory_space<vmem>> -> memref<1x8x128xi32, #tpu.memory_space<vmem>>
      %dma_start3A_373 = tpu.memref_squeeze %dma_start3A_372 : memref<1x8x128xi32, #tpu.memory_space<vmem>> -> memref<8x128xi32, #tpu.memory_space<vmem>>
      %dma_start3A_374 = tpu.memref_slice %arg9[%dma_start3A, %mul3A_367] : memref<4x80xi32, #tpu.memory_space<vmem>> -> memref<1x8xi32, #tpu.memory_space<vmem>>
      %dma_start3A_375 = tpu.memref_squeeze %dma_start3A_374 : memref<1x8xi32, #tpu.memory_space<vmem>> -> memref<8xi32, #tpu.memory_space<vmem>>
      %dma_start3A_376 = arith.constant 0 : i32
      %dma_start3A_377 = arith.constant 0 : i32
      %dma_start3A_378 = tpu.memref_slice %arg4[%dma_start3A_376, %dma_start3A_377] : memref<102000x128xi32, #tpu.memory_space<hbm>> -> memref<102000x128xi32, #tpu.memory_space<hbm>>
      tpu.enqueue_indirect_dma source(%dma_start3A_378 : memref<102000x128xi32, #tpu.memory_space<hbm>>) target(%dma_start3A_373 : memref<8x128xi32, #tpu.memory_space<vmem>>) offsets(%dma_start3A_375 : memref<8xi32, #tpu.memory_space<vmem>>) semaphore(%arg13 : memref<!tpu.dma_semaphore, #tpu.memory_space<semaphore_mem>>)
    }
    %while3A_337 = arith.constant 1 : i32
    scf.for %while3A_365 = %while3A_335 to %while3A_331 step %while3A_337  : i32 {
      %mul3A_366 = arith.constant 8 : i32
      %mul3A_367 = arith.muli %while3A_365, %mul3A_366 : i32
      %mul3A_368 = arith.constant 8 : i32
      %mul3A_369 = arith.muli %while3A_365, %mul3A_368 : i32
      %dma_start3A = arith.constant 2 : i32
      %dma_start3A_370 = arith.constant 2 : i32
      %dma_start3A_371 = arith.constant 0 : i32
      %dma_start3A_372 = tpu.memref_slice %arg10[%dma_start3A_370, %mul3A_369, %dma_start3A_371] : memref<4x64x128xi32, #tpu.memory_space<vmem>> -> memref<1x8x128xi32, #tpu.memory_space<vmem>>
      %dma_start3A_373 = tpu.memref_squeeze %dma_start3A_372 : memref<1x8x128xi32, #tpu.memory_space<vmem>> -> memref<8x128xi32, #tpu.memory_space<vmem>>
      %dma_start3A_374 = tpu.memref_slice %arg9[%dma_start3A, %mul3A_367] : memref<4x80xi32, #tpu.memory_space<vmem>> -> memref<1x8xi32, #tpu.memory_space<vmem>>
      %dma_start3A_375 = tpu.memref_squeeze %dma_start3A_374 : memref<1x8xi32, #tpu.memory_space<vmem>> -> memref<8xi32, #tpu.memory_space<vmem>>
      %dma_start3A_376 = arith.constant 0 : i32
      %dma_start3A_377 = arith.constant 0 : i32
      %dma_start3A_378 = tpu.memref_slice %arg4[%dma_start3A_376, %dma_start3A_377] : memref<102000x128xi32, #tpu.memory_space<hbm>> -> memref<102000x128xi32, #tpu.memory_space<hbm>>
      tpu.enqueue_indirect_dma source(%dma_start3A_378 : memref<102000x128xi32, #tpu.memory_space<hbm>>) target(%dma_start3A_373 : memref<8x128xi32, #tpu.memory_space<vmem>>) offsets(%dma_start3A_375 : memref<8xi32, #tpu.memory_space<vmem>>) semaphore(%arg13 : memref<!tpu.dma_semaphore, #tpu.memory_space<semaphore_mem>>)
    }
    %scan3A = arith.constant -65536 : i32
    %scan3A_338 = arith.constant 0 : i32
    %scan3A_339 = arith.constant 512 : i32
    %scan3A_340 = arith.addi %scan3A_338, %scan3A_339 : i32
    %scan3A_341 = arith.constant 1 : i32
    %scan3A_342:6 = scf.for %scan3A_365 = %scan3A_338 to %scan3A_340 step %scan3A_341 iter_args(%scan3A_366 = %shift_right_arithmetic3A_98, %scan3A_367 = %add3A_95, %scan3A_368 = %shift_right_arithmetic3A_212, %scan3A_369 = %add3A_208, %scan3A_370 = %shift_right_arithmetic3A_327, %scan3A_371 = %add3A_323) -> (i32, i32, i32, i32, i32, i32)  : i32 {
      %rem3A = arith.constant 4 : i32
      %rem3A_372 = arith.remsi %scan3A_365, %rem3A : i32
      %lt3A_373 = arith.constant 509 : i32
      %lt3A_374 = arith.cmpi slt, %scan3A_365, %lt3A_373 : i32
      %convert_element_type3A = arith.extui %lt3A_374 : i1 to i32
      %cond3A = arith.constant 0 : i32
      %cond3A_375 = arith.cmpi ne, %convert_element_type3A, %cond3A : i32
      %cond3A_376:2 = scf.if %cond3A_375 -> (i32, i32) {
        %add3A_588 = arith.constant 3 : i32
        %add3A_589 = arith.addi %scan3A_365, %add3A_588 : i32
        %add3A_590 = arith.constant 3 : i32
        %add3A_591 = arith.addi %scan3A_365, %add3A_590 : i32
        %rem3A_592 = arith.constant 4 : i32
        %rem3A_593 = arith.remsi %add3A_591, %rem3A_592 : i32
        %mul3A_594 = arith.constant 50 : i32
        %mul3A_595 = arith.muli %add3A_589, %mul3A_594 : i32
        %mul3A_596 = arith.constant 80 : i32
        %mul3A_597 = arith.muli %add3A_589, %mul3A_596 : i32
        %add3A_598 = arith.constant 0 : i32
        %add3A_599 = arith.addi %mul3A_597, %add3A_598 : i32
        %and3A_600 = arith.constant 511 : i32
        %and3A_601 = arith.andi %add3A_599, %and3A_600 : i32
        %add3A_602 = arith.constant 100000 : i32
        %add3A_603 = arith.addi %add3A_602, %and3A_601 : i32
        %add3A_604 = vector.broadcast %add3A_603 : i32 to vector<16xi32>
        %add3A_605 = arith.addi %add3A_604, %iota3A : vector<16xi32>
        %swap3A_606 = arith.index_cast %rem3A_593 : i32 to index
        %swap3A_607 = arith.constant 0 : index
        %swap3A_608 = tpu.vector_load %arg9[%swap3A_606, %swap3A_607] {strides = array<i32>} : memref<4x80xi32, #tpu.memory_space<vmem>>, vector<16xi32>,
        tpu.vector_store %arg9[%swap3A_606, %swap3A_607], %add3A_605 {strides = array<i32>} : memref<4x80xi32, #tpu.memory_space<vmem>>, vector<16xi32>,
        %mul3A_609 = arith.constant 80 : i32
        %mul3A_610 = arith.muli %add3A_589, %mul3A_609 : i32
        %add3A_611 = arith.constant 16 : i32
        %add3A_612 = arith.addi %mul3A_610, %add3A_611 : i32
        %and3A_613 = arith.constant 511 : i32
        %and3A_614 = arith.andi %add3A_612, %and3A_613 : i32
        %add3A_615 = arith.constant 100000 : i32
        %add3A_616 = arith.addi %add3A_615, %and3A_614 : i32
        %add3A_617 = vector.broadcast %add3A_616 : i32 to vector<16xi32>
        %add3A_618 = arith.addi %add3A_617, %iota3A : vector<16xi32>
        %swap3A_619 = arith.index_cast %rem3A_593 : i32 to index
        %swap3A_620 = arith.constant 16 : index
        %swap3A_621 = tpu.vector_load %arg9[%swap3A_619, %swap3A_620] {strides = array<i32>} : memref<4x80xi32, #tpu.memory_space<vmem>>, vector<16xi32>,
        tpu.vector_store %arg9[%swap3A_619, %swap3A_620], %add3A_618 {strides = array<i32>} : memref<4x80xi32, #tpu.memory_space<vmem>>, vector<16xi32>,
        %mul3A_622 = arith.constant 80 : i32
        %mul3A_623 = arith.muli %add3A_589, %mul3A_622 : i32
        %add3A_624 = arith.constant 32 : i32
        %add3A_625 = arith.addi %mul3A_623, %add3A_624 : i32
        %and3A_626 = arith.constant 511 : i32
        %and3A_627 = arith.andi %add3A_625, %and3A_626 : i32
        %add3A_628 = arith.constant 100000 : i32
        %add3A_629 = arith.addi %add3A_628, %and3A_627 : i32
        %add3A_630 = vector.broadcast %add3A_629 : i32 to vector<16xi32>
        %add3A_631 = arith.addi %add3A_630, %iota3A : vector<16xi32>
        %swap3A_632 = arith.index_cast %rem3A_593 : i32 to index
        %swap3A_633 = arith.constant 32 : index
        %swap3A_634 = tpu.vector_load %arg9[%swap3A_632, %swap3A_633] {strides = array<i32>} : memref<4x80xi32, #tpu.memory_space<vmem>>, vector<16xi32>,
        tpu.vector_store %arg9[%swap3A_632, %swap3A_633], %add3A_631 {strides = array<i32>} : memref<4x80xi32, #tpu.memory_space<vmem>>, vector<16xi32>,
        %mul3A_635 = arith.constant 80 : i32
        %mul3A_636 = arith.muli %add3A_589, %mul3A_635 : i32
        %add3A_637 = arith.constant 48 : i32
        %add3A_638 = arith.addi %mul3A_636, %add3A_637 : i32
        %and3A_639 = arith.constant 511 : i32
        %and3A_640 = arith.andi %add3A_638, %and3A_639 : i32
        %add3A_641 = arith.constant 100000 : i32
        %add3A_642 = arith.addi %add3A_641, %and3A_640 : i32
        %add3A_643 = vector.broadcast %add3A_642 : i32 to vector<16xi32>
        %add3A_644 = arith.addi %add3A_643, %iota3A : vector<16xi32>
        %swap3A_645 = arith.index_cast %rem3A_593 : i32 to index
        %swap3A_646 = arith.constant 48 : index
        %swap3A_647 = tpu.vector_load %arg9[%swap3A_645, %swap3A_646] {strides = array<i32>} : memref<4x80xi32, #tpu.memory_space<vmem>>, vector<16xi32>,
        tpu.vector_store %arg9[%swap3A_645, %swap3A_646], %add3A_644 {strides = array<i32>} : memref<4x80xi32, #tpu.memory_space<vmem>>, vector<16xi32>,
        %mul3A_648 = arith.constant 80 : i32
        %mul3A_649 = arith.muli %add3A_589, %mul3A_648 : i32
        %add3A_650 = arith.constant 64 : i32
        %add3A_651 = arith.addi %mul3A_649, %add3A_650 : i32
        %and3A_652 = arith.constant 511 : i32
        %and3A_653 = arith.andi %add3A_651, %and3A_652 : i32
        %add3A_654 = arith.constant 100000 : i32
        %add3A_655 = arith.addi %add3A_654, %and3A_653 : i32
        %add3A_656 = vector.broadcast %add3A_655 : i32 to vector<16xi32>
        %add3A_657 = arith.addi %add3A_656, %iota3A : vector<16xi32>
        %swap3A_658 = arith.index_cast %rem3A_593 : i32 to index
        %swap3A_659 = arith.constant 64 : index
        %swap3A_660 = tpu.vector_load %arg9[%swap3A_658, %swap3A_659] {strides = array<i32>} : memref<4x80xi32, #tpu.memory_space<vmem>>, vector<16xi32>,
        tpu.vector_store %arg9[%swap3A_658, %swap3A_659], %add3A_657 {strides = array<i32>} : memref<4x80xi32, #tpu.memory_space<vmem>>, vector<16xi32>,
        %add3A_661 = arith.constant 0 : i32
        %add3A_662 = arith.addi %mul3A_595, %add3A_661 : i32
        %get3A_663 = arith.index_cast %add3A_662 : i32 to index
        %get3A_664 = tpu.vector_load %arg7[%get3A_663] {strides = array<i32>} : memref<25616xi32, #tpu.memory_space<vmem>>, vector<16xi32>,
        %get3A_665 = arith.index_cast %add3A_662 : i32 to index
        %get3A_666 = tpu.vector_load %arg8[%get3A_665] {strides = array<i32>} : memref<25616xi32, #tpu.memory_space<vmem>>, vector<16xi32>,
        %ne3A_667 = arith.constant 0 : i32
        %ne3A_668 = vector.broadcast %ne3A_667 : i32 to vector<16xi32>
        %ne3A_669 = arith.cmpi ne, %get3A_666, %ne3A_668 : vector<16xi32>
        %swap3A_670 = arith.constant 0 : i32
        %swap3A_671 = arith.index_cast %rem3A_593 : i32 to index
        %swap3A_672 = arith.index_cast %swap3A_670 : i32 to index
        %swap3A_673 = tpu.vector_load %arg9[%swap3A_671, %swap3A_672] masked %ne3A_669 {strides = array<i32>} : memref<4x80xi32, #tpu.memory_space<vmem>>, vector<16xi32>, vector<16xi1>
        tpu.vector_store %arg9[%swap3A_671, %swap3A_672], %get3A_664 masked %ne3A_669 {strides = array<i32>} : memref<4x80xi32, #tpu.memory_space<vmem>>, vector<16xi32>, vector<16xi1>
        %all_reduce_population_count3A_674 = tpu.all_reduce %ne3A_669 {dim = 0 : i64, kind = #tpu.reduction_kind<sum>} : vector<16xi1> -> vector<16xi32>
        %slice3A_675 = vector.extract_strided_slice %all_reduce_population_count3A_674 {offsets = [0], sizes = [1], strides = [1]} : vector<16xi32> to vector<1xi32>
        %squeeze3A_676 = vector.extract %slice3A_675[0] : i32 from vector<1xi32>
        %add3A_677 = arith.constant 0 : i32
        %add3A_678 = arith.addi %add3A_677, %squeeze3A_676 : i32
        %add3A_679 = arith.constant 16 : i32
        %add3A_680 = arith.addi %mul3A_595, %add3A_679 : i32
        %get3A_681 = arith.index_cast %add3A_680 : i32 to index
        %get3A_682 = tpu.vector_load %arg7[%get3A_681] {strides = array<i32>} : memref<25616xi32, #tpu.memory_space<vmem>>, vector<16xi32>,
        %get3A_683 = arith.index_cast %add3A_680 : i32 to index
        %get3A_684 = tpu.vector_load %arg8[%get3A_683] {strides = array<i32>} : memref<25616xi32, #tpu.memory_space<vmem>>, vector<16xi32>,
        %ne3A_685 = arith.constant 0 : i32
        %ne3A_686 = vector.broadcast %ne3A_685 : i32 to vector<16xi32>
        %ne3A_687 = arith.cmpi ne, %get3A_684, %ne3A_686 : vector<16xi32>
        %swap3A_688 = arith.index_cast %rem3A_593 : i32 to index
        %swap3A_689 = arith.index_cast %add3A_678 : i32 to index
        %swap3A_690 = tpu.vector_load %arg9[%swap3A_688, %swap3A_689] masked %ne3A_687 {strides = array<i32>} : memref<4x80xi32, #tpu.memory_space<vmem>>, vector<16xi32>, vector<16xi1>
        tpu.vector_store %arg9[%swap3A_688, %swap3A_689], %get3A_682 masked %ne3A_687 {strides = array<i32>} : memref<4x80xi32, #tpu.memory_space<vmem>>, vector<16xi32>, vector<16xi1>
        %all_reduce_population_count3A_691 = tpu.all_reduce %ne3A_687 {dim = 0 : i64, kind = #tpu.reduction_kind<sum>} : vector<16xi1> -> vector<16xi32>
        %slice3A_692 = vector.extract_strided_slice %all_reduce_population_count3A_691 {offsets = [0], sizes = [1], strides = [1]} : vector<16xi32> to vector<1xi32>
        %squeeze3A_693 = vector.extract %slice3A_692[0] : i32 from vector<1xi32>
        %add3A_694 = arith.addi %add3A_678, %squeeze3A_693 : i32
        %add3A_695 = arith.constant 32 : i32
        %add3A_696 = arith.addi %mul3A_595, %add3A_695 : i32
        %get3A_697 = arith.index_cast %add3A_696 : i32 to index
        %get3A_698 = tpu.vector_load %arg7[%get3A_697] {strides = array<i32>} : memref<25616xi32, #tpu.memory_space<vmem>>, vector<16xi32>,
        %get3A_699 = arith.index_cast %add3A_696 : i32 to index
        %get3A_700 = tpu.vector_load %arg8[%get3A_699] {strides = array<i32>} : memref<25616xi32, #tpu.memory_space<vmem>>, vector<16xi32>,
        %ne3A_701 = arith.constant 0 : i32
        %ne3A_702 = vector.broadcast %ne3A_701 : i32 to vector<16xi32>
        %ne3A_703 = arith.cmpi ne, %get3A_700, %ne3A_702 : vector<16xi32>
        %swap3A_704 = arith.index_cast %rem3A_593 : i32 to index
        %swap3A_705 = arith.index_cast %add3A_694 : i32 to index
        %swap3A_706 = tpu.vector_load %arg9[%swap3A_704, %swap3A_705] masked %ne3A_703 {strides = array<i32>} : memref<4x80xi32, #tpu.memory_space<vmem>>, vector<16xi32>, vector<16xi1>
        tpu.vector_store %arg9[%swap3A_704, %swap3A_705], %get3A_698 masked %ne3A_703 {strides = array<i32>} : memref<4x80xi32, #tpu.memory_space<vmem>>, vector<16xi32>, vector<16xi1>
        %all_reduce_population_count3A_707 = tpu.all_reduce %ne3A_703 {dim = 0 : i64, kind = #tpu.reduction_kind<sum>} : vector<16xi1> -> vector<16xi32>
        %slice3A_708 = vector.extract_strided_slice %all_reduce_population_count3A_707 {offsets = [0], sizes = [1], strides = [1]} : vector<16xi32> to vector<1xi32>
        %squeeze3A_709 = vector.extract %slice3A_708[0] : i32 from vector<1xi32>
        %add3A_710 = arith.addi %add3A_694, %squeeze3A_709 : i32
        %add3A_711 = arith.constant 48 : i32
        %add3A_712 = arith.addi %mul3A_595, %add3A_711 : i32
        %get3A_713 = arith.index_cast %add3A_712 : i32 to index
        %get3A_714 = tpu.vector_load %arg7[%get3A_713] {strides = array<i32>} : memref<25616xi32, #tpu.memory_space<vmem>>, vector<16xi32>,
        %get3A_715 = arith.index_cast %add3A_712 : i32 to index
        %get3A_716 = tpu.vector_load %arg8[%get3A_715] {strides = array<i32>} : memref<25616xi32, #tpu.memory_space<vmem>>, vector<16xi32>,
        %ne3A_717 = arith.constant 0 : i32
        %ne3A_718 = vector.broadcast %ne3A_717 : i32 to vector<16xi32>
        %ne3A_719 = arith.cmpi ne, %get3A_716, %ne3A_718 : vector<16xi32>
        %lt3A_720 = arith.constant 2 : i32
        %lt3A_721 = vector.broadcast %lt3A_720 : i32 to vector<16xi32>
        %lt3A_722 = arith.cmpi slt, %iota3A, %lt3A_721 : vector<16xi32>
        %and3A_723 = arith.andi %ne3A_719, %lt3A_722 : vector<16xi1>
        %swap3A_724 = arith.index_cast %rem3A_593 : i32 to index
        %swap3A_725 = arith.index_cast %add3A_710 : i32 to index
        %swap3A_726 = tpu.vector_load %arg9[%swap3A_724, %swap3A_725] masked %and3A_723 {strides = array<i32>} : memref<4x80xi32, #tpu.memory_space<vmem>>, vector<16xi32>, vector<16xi1>
        tpu.vector_store %arg9[%swap3A_724, %swap3A_725], %get3A_714 masked %and3A_723 {strides = array<i32>} : memref<4x80xi32, #tpu.memory_space<vmem>>, vector<16xi32>, vector<16xi1>
        %all_reduce_population_count3A_727 = tpu.all_reduce %and3A_723 {dim = 0 : i64, kind = #tpu.reduction_kind<sum>} : vector<16xi1> -> vector<16xi32>
        %slice3A_728 = vector.extract_strided_slice %all_reduce_population_count3A_727 {offsets = [0], sizes = [1], strides = [1]} : vector<16xi32> to vector<1xi32>
        %squeeze3A_729 = vector.extract %slice3A_728[0] : i32 from vector<1xi32>
        %add3A_730 = arith.addi %add3A_710, %squeeze3A_729 : i32
        %add3A_731 = arith.constant 7 : i32
        %add3A_732 = arith.addi %add3A_730, %add3A_731 : i32
        %shift_right_arithmetic3A_733 = arith.constant 3 : i32
        %shift_right_arithmetic3A_734 = arith.shrsi %add3A_732, %shift_right_arithmetic3A_733 : i32
        %while3A_735 = arith.constant 0 : i32
        %while3A_736 = arith.constant 0 : i32
        %while3A_737 = arith.subi %shift_right_arithmetic3A_734, %while3A_736 : i32
        %while3A_738 = arith.addi %while3A_736, %while3A_737 : i32
        %while3A_739 = arith.constant 1 : i32
        %while3A_740 = arith.divsi %while3A_737, %while3A_739 : i32
        %while3A_741 = arith.muli %while3A_740, %while3A_739 : i32
        %while3A_742 = arith.addi %while3A_736, %while3A_741 : i32
        %while3A_743 = arith.constant 1 : i32
        scf.for %while3A_745 = %while3A_736 to %while3A_742 step %while3A_743  : i32 {
          %mul3A_746 = arith.constant 8 : i32
          %mul3A_747 = arith.muli %while3A_745, %mul3A_746 : i32
          %mul3A_748 = arith.constant 8 : i32
          %mul3A_749 = arith.muli %while3A_745, %mul3A_748 : i32
          %dma_start3A_750 = arith.constant 0 : i32
          %dma_start3A_751 = tpu.memref_slice %arg10[%rem3A_593, %mul3A_749, %dma_start3A_750] : memref<4x64x128xi32, #tpu.memory_space<vmem>> -> memref<1x8x128xi32, #tpu.memory_space<vmem>>
          %dma_start3A_752 = tpu.memref_squeeze %dma_start3A_751 : memref<1x8x128xi32, #tpu.memory_space<vmem>> -> memref<8x128xi32, #tpu.memory_space<vmem>>
          %dma_start3A_753 = tpu.memref_slice %arg9[%rem3A_593, %mul3A_747] : memref<4x80xi32, #tpu.memory_space<vmem>> -> memref<1x8xi32, #tpu.memory_space<vmem>>
          %dma_start3A_754 = tpu.memref_squeeze %dma_start3A_753 : memref<1x8xi32, #tpu.memory_space<vmem>> -> memref<8xi32, #tpu.memory_space<vmem>>
          %dma_start3A_755 = arith.constant 0 : i32
          %dma_start3A_756 = arith.constant 0 : i32
          %dma_start3A_757 = tpu.memref_slice %arg4[%dma_start3A_755, %dma_start3A_756] : memref<102000x128xi32, #tpu.memory_space<hbm>> -> memref<102000x128xi32, #tpu.memory_space<hbm>>
          tpu.enqueue_indirect_dma source(%dma_start3A_757 : memref<102000x128xi32, #tpu.memory_space<hbm>>) target(%dma_start3A_752 : memref<8x128xi32, #tpu.memory_space<vmem>>) offsets(%dma_start3A_754 : memref<8xi32, #tpu.memory_space<vmem>>) semaphore(%arg13 : memref<!tpu.dma_semaphore, #tpu.memory_space<semaphore_mem>>)
        }
        %while3A_744 = arith.constant 1 : i32
        scf.for %while3A_745 = %while3A_742 to %while3A_738 step %while3A_744  : i32 {
          %mul3A_746 = arith.constant 8 : i32
          %mul3A_747 = arith.muli %while3A_745, %mul3A_746 : i32
          %mul3A_748 = arith.constant 8 : i32
          %mul3A_749 = arith.muli %while3A_745, %mul3A_748 : i32
          %dma_start3A_750 = arith.constant 0 : i32
          %dma_start3A_751 = tpu.memref_slice %arg10[%rem3A_593, %mul3A_749, %dma_start3A_750] : memref<4x64x128xi32, #tpu.memory_space<vmem>> -> memref<1x8x128xi32, #tpu.memory_space<vmem>>
          %dma_start3A_752 = tpu.memref_squeeze %dma_start3A_751 : memref<1x8x128xi32, #tpu.memory_space<vmem>> -> memref<8x128xi32, #tpu.memory_space<vmem>>
          %dma_start3A_753 = tpu.memref_slice %arg9[%rem3A_593, %mul3A_747] : memref<4x80xi32, #tpu.memory_space<vmem>> -> memref<1x8xi32, #tpu.memory_space<vmem>>
          %dma_start3A_754 = tpu.memref_squeeze %dma_start3A_753 : memref<1x8xi32, #tpu.memory_space<vmem>> -> memref<8xi32, #tpu.memory_space<vmem>>
          %dma_start3A_755 = arith.constant 0 : i32
          %dma_start3A_756 = arith.constant 0 : i32
          %dma_start3A_757 = tpu.memref_slice %arg4[%dma_start3A_755, %dma_start3A_756] : memref<102000x128xi32, #tpu.memory_space<hbm>> -> memref<102000x128xi32, #tpu.memory_space<hbm>>
          tpu.enqueue_indirect_dma source(%dma_start3A_757 : memref<102000x128xi32, #tpu.memory_space<hbm>>) target(%dma_start3A_752 : memref<8x128xi32, #tpu.memory_space<vmem>>) offsets(%dma_start3A_754 : memref<8xi32, #tpu.memory_space<vmem>>) semaphore(%arg13 : memref<!tpu.dma_semaphore, #tpu.memory_space<semaphore_mem>>)
        }
        scf.yield %shift_right_arithmetic3A_734, %add3A_730 : i32, i32
      } else {
        %cond3A_588 = arith.constant 0 : i32
        %cond3A_589 = arith.constant 0 : i32
        scf.yield %cond3A_588, %cond3A_589 : i32, i32
      }
      %while3A_377 = arith.constant 0 : i32
      %while3A_378 = arith.constant 0 : i32
      %while3A_379 = arith.subi %scan3A_366, %while3A_378 : i32
      %while3A_380 = arith.addi %while3A_378, %while3A_379 : i32
      %while3A_381 = arith.constant 1 : i32
      %while3A_382 = arith.divsi %while3A_379, %while3A_381 : i32
      %while3A_383 = arith.muli %while3A_382, %while3A_381 : i32
      %while3A_384 = arith.addi %while3A_378, %while3A_383 : i32
      %while3A_385 = arith.constant 1 : i32
      scf.for %while3A_588 = %while3A_378 to %while3A_384 step %while3A_385  : i32 {
        %dma_wait3A_589 = arith.constant 0 : i32
        %dma_wait3A_590 = arith.constant 0 : i32
        %dma_wait3A_591 = tpu.memref_slice %arg10[%rem3A_372, %dma_wait3A_589, %dma_wait3A_590] : memref<4x64x128xi32, #tpu.memory_space<vmem>> -> memref<1x8x128xi32, #tpu.memory_space<vmem>>
        %dma_wait3A_592 = tpu.memref_squeeze %dma_wait3A_591 : memref<1x8x128xi32, #tpu.memory_space<vmem>> -> memref<8x128xi32, #tpu.memory_space<vmem>>
        %dma_wait3A_593 = arith.constant 0 : i32
        %dma_wait3A_594 = tpu.memref_slice %arg9[%rem3A_372, %dma_wait3A_593] : memref<4x80xi32, #tpu.memory_space<vmem>> -> memref<1x8xi32, #tpu.memory_space<vmem>>
        %dma_wait3A_595 = tpu.memref_squeeze %dma_wait3A_594 : memref<1x8xi32, #tpu.memory_space<vmem>> -> memref<8xi32, #tpu.memory_space<vmem>>
        %dma_wait3A_596 = arith.constant 0 : i32
        %dma_wait3A_597 = arith.constant 0 : i32
        %dma_wait3A_598 = tpu.memref_slice %arg4[%dma_wait3A_596, %dma_wait3A_597] : memref<102000x128xi32, #tpu.memory_space<hbm>> -> memref<102000x128xi32, #tpu.memory_space<hbm>>
        tpu.wait_indirect_dma semaphore(%arg13 : memref<!tpu.dma_semaphore, #tpu.memory_space<semaphore_mem>>) src(%dma_wait3A_598 : memref<102000x128xi32, #tpu.memory_space<hbm>>) dst(%dma_wait3A_592 : memref<8x128xi32, #tpu.memory_space<vmem>>)
      }
      %while3A_386 = arith.constant 1 : i32
      scf.for %while3A_588 = %while3A_384 to %while3A_380 step %while3A_386  : i32 {
        %dma_wait3A_589 = arith.constant 0 : i32
        %dma_wait3A_590 = arith.constant 0 : i32
        %dma_wait3A_591 = tpu.memref_slice %arg10[%rem3A_372, %dma_wait3A_589, %dma_wait3A_590] : memref<4x64x128xi32, #tpu.memory_space<vmem>> -> memref<1x8x128xi32, #tpu.memory_space<vmem>>
        %dma_wait3A_592 = tpu.memref_squeeze %dma_wait3A_591 : memref<1x8x128xi32, #tpu.memory_space<vmem>> -> memref<8x128xi32, #tpu.memory_space<vmem>>
        %dma_wait3A_593 = arith.constant 0 : i32
        %dma_wait3A_594 = tpu.memref_slice %arg9[%rem3A_372, %dma_wait3A_593] : memref<4x80xi32, #tpu.memory_space<vmem>> -> memref<1x8xi32, #tpu.memory_space<vmem>>
        %dma_wait3A_595 = tpu.memref_squeeze %dma_wait3A_594 : memref<1x8xi32, #tpu.memory_space<vmem>> -> memref<8xi32, #tpu.memory_space<vmem>>
        %dma_wait3A_596 = arith.constant 0 : i32
        %dma_wait3A_597 = arith.constant 0 : i32
        %dma_wait3A_598 = tpu.memref_slice %arg4[%dma_wait3A_596, %dma_wait3A_597] : memref<102000x128xi32, #tpu.memory_space<hbm>> -> memref<102000x128xi32, #tpu.memory_space<hbm>>
        tpu.wait_indirect_dma semaphore(%arg13 : memref<!tpu.dma_semaphore, #tpu.memory_space<semaphore_mem>>) src(%dma_wait3A_598 : memref<102000x128xi32, #tpu.memory_space<hbm>>) dst(%dma_wait3A_592 : memref<8x128xi32, #tpu.memory_space<vmem>>)
      }
      %broadcast_in_dim3A = arith.constant 0.000000e+00 : f32
      %broadcast_in_dim3A_387 = vector.broadcast %broadcast_in_dim3A : f32 to vector<16xf32>
      %mul3A_388 = arith.constant 8 : i32
      %mul3A_389 = arith.muli %scan3A_366, %mul3A_388 : i32
      %while3A_390 = arith.constant 0 : i32
      %while3A_391 = arith.subi %mul3A_389, %while3A_390 : i32
      %while3A_392 = arith.addi %while3A_390, %while3A_391 : i32
      %while3A_393 = arith.constant 1 : i32
      %while3A_394 = arith.divsi %while3A_391, %while3A_393 : i32
      %while3A_395 = arith.muli %while3A_394, %while3A_393 : i32
      %while3A_396 = arith.addi %while3A_390, %while3A_395 : i32
      %while3A_397 = arith.constant 1 : i32
      %while3A_398:16 = scf.for %while3A_588 = %while3A_390 to %while3A_396 step %while3A_397 iter_args(%while3A_589 = %broadcast_in_dim3A_387, %while3A_590 = %broadcast_in_dim3A_387, %while3A_591 = %broadcast_in_dim3A_387, %while3A_592 = %broadcast_in_dim3A_387, %while3A_593 = %broadcast_in_dim3A_387, %while3A_594 = %broadcast_in_dim3A_387, %while3A_595 = %broadcast_in_dim3A_387, %while3A_596 = %broadcast_in_dim3A_387, %while3A_597 = %broadcast_in_dim3A_387, %while3A_598 = %broadcast_in_dim3A_387, %while3A_599 = %broadcast_in_dim3A_387, %while3A_600 = %broadcast_in_dim3A_387, %while3A_601 = %broadcast_in_dim3A_387, %while3A_602 = %broadcast_in_dim3A_387, %while3A_603 = %broadcast_in_dim3A_387, %while3A_604 = %broadcast_in_dim3A_387) -> (vector<16xf32>, vector<16xf32>, vector<16xf32>, vector<16xf32>, vector<16xf32>, vector<16xf32>, vector<16xf32>, vector<16xf32>, vector<16xf32>, vector<16xf32>, vector<16xf32>, vector<16xf32>, vector<16xf32>, vector<16xf32>, vector<16xf32>, vector<16xf32>)  : i32 {
        %get3A_605 = arith.index_cast %rem3A_372 : i32 to index
        %get3A_606 = arith.index_cast %while3A_588 : i32 to index
        %get3A_607 = arith.constant 0 : index
        %get3A_608 = tpu.vector_load %arg10[%get3A_605, %get3A_606, %get3A_607] {strides = array<i32>} : memref<4x64x128xi32, #tpu.memory_space<vmem>>, vector<16xi32>,
        %shift_left3A = arith.constant 16 : i32
        %shift_left3A_609 = vector.broadcast %shift_left3A : i32 to vector<16xi32>
        %shift_left3A_610 = arith.shli %get3A_608, %shift_left3A_609 : vector<16xi32>
        %bitcast3A = vector.bitcast %shift_left3A_610 : vector<16xi32> to vector<16xf32>
        %add3A_611 = arith.addf %while3A_589, %bitcast3A : vector<16xf32>
        %and3A_612 = vector.broadcast %scan3A : i32 to vector<16xi32>
        %and3A_613 = arith.andi %get3A_608, %and3A_612 : vector<16xi32>
        %bitcast3A_614 = vector.bitcast %and3A_613 : vector<16xi32> to vector<16xf32>
        %add3A_615 = arith.addf %while3A_597, %bitcast3A_614 : vector<16xf32>
        %get3A_616 = arith.index_cast %rem3A_372 : i32 to index
        %get3A_617 = arith.index_cast %while3A_588 : i32 to index
        %get3A_618 = arith.constant 16 : index
        %get3A_619 = tpu.vector_load %arg10[%get3A_616, %get3A_617, %get3A_618] {strides = array<i32>} : memref<4x64x128xi32, #tpu.memory_space<vmem>>, vector<16xi32>,
        %shift_left3A_620 = arith.constant 16 : i32
        %shift_left3A_621 = vector.broadcast %shift_left3A_620 : i32 to vector<16xi32>
        %shift_left3A_622 = arith.shli %get3A_619, %shift_left3A_621 : vector<16xi32>
        %bitcast3A_623 = vector.bitcast %shift_left3A_622 : vector<16xi32> to vector<16xf32>
        %add3A_624 = arith.addf %while3A_590, %bitcast3A_623 : vector<16xf32>
        %and3A_625 = vector.broadcast %scan3A : i32 to vector<16xi32>
        %and3A_626 = arith.andi %get3A_619, %and3A_625 : vector<16xi32>
        %bitcast3A_627 = vector.bitcast %and3A_626 : vector<16xi32> to vector<16xf32>
        %add3A_628 = arith.addf %while3A_598, %bitcast3A_627 : vector<16xf32>
        %get3A_629 = arith.index_cast %rem3A_372 : i32 to index
        %get3A_630 = arith.index_cast %while3A_588 : i32 to index
        %get3A_631 = arith.constant 32 : index
        %get3A_632 = tpu.vector_load %arg10[%get3A_629, %get3A_630, %get3A_631] {strides = array<i32>} : memref<4x64x128xi32, #tpu.memory_space<vmem>>, vector<16xi32>,
        %shift_left3A_633 = arith.constant 16 : i32
        %shift_left3A_634 = vector.broadcast %shift_left3A_633 : i32 to vector<16xi32>
        %shift_left3A_635 = arith.shli %get3A_632, %shift_left3A_634 : vector<16xi32>
        %bitcast3A_636 = vector.bitcast %shift_left3A_635 : vector<16xi32> to vector<16xf32>
        %add3A_637 = arith.addf %while3A_591, %bitcast3A_636 : vector<16xf32>
        %and3A_638 = vector.broadcast %scan3A : i32 to vector<16xi32>
        %and3A_639 = arith.andi %get3A_632, %and3A_638 : vector<16xi32>
        %bitcast3A_640 = vector.bitcast %and3A_639 : vector<16xi32> to vector<16xf32>
        %add3A_641 = arith.addf %while3A_599, %bitcast3A_640 : vector<16xf32>
        %get3A_642 = arith.index_cast %rem3A_372 : i32 to index
        %get3A_643 = arith.index_cast %while3A_588 : i32 to index
        %get3A_644 = arith.constant 48 : index
        %get3A_645 = tpu.vector_load %arg10[%get3A_642, %get3A_643, %get3A_644] {strides = array<i32>} : memref<4x64x128xi32, #tpu.memory_space<vmem>>, vector<16xi32>,
        %shift_left3A_646 = arith.constant 16 : i32
        %shift_left3A_647 = vector.broadcast %shift_left3A_646 : i32 to vector<16xi32>
        %shift_left3A_648 = arith.shli %get3A_645, %shift_left3A_647 : vector<16xi32>
        %bitcast3A_649 = vector.bitcast %shift_left3A_648 : vector<16xi32> to vector<16xf32>
        %add3A_650 = arith.addf %while3A_592, %bitcast3A_649 : vector<16xf32>
        %and3A_651 = vector.broadcast %scan3A : i32 to vector<16xi32>
        %and3A_652 = arith.andi %get3A_645, %and3A_651 : vector<16xi32>
        %bitcast3A_653 = vector.bitcast %and3A_652 : vector<16xi32> to vector<16xf32>
        %add3A_654 = arith.addf %while3A_600, %bitcast3A_653 : vector<16xf32>
        %get3A_655 = arith.index_cast %rem3A_372 : i32 to index
        %get3A_656 = arith.index_cast %while3A_588 : i32 to index
        %get3A_657 = arith.constant 64 : index
        %get3A_658 = tpu.vector_load %arg10[%get3A_655, %get3A_656, %get3A_657] {strides = array<i32>} : memref<4x64x128xi32, #tpu.memory_space<vmem>>, vector<16xi32>,
        %shift_left3A_659 = arith.constant 16 : i32
        %shift_left3A_660 = vector.broadcast %shift_left3A_659 : i32 to vector<16xi32>
        %shift_left3A_661 = arith.shli %get3A_658, %shift_left3A_660 : vector<16xi32>
        %bitcast3A_662 = vector.bitcast %shift_left3A_661 : vector<16xi32> to vector<16xf32>
        %add3A_663 = arith.addf %while3A_593, %bitcast3A_662 : vector<16xf32>
        %and3A_664 = vector.broadcast %scan3A : i32 to vector<16xi32>
        %and3A_665 = arith.andi %get3A_658, %and3A_664 : vector<16xi32>
        %bitcast3A_666 = vector.bitcast %and3A_665 : vector<16xi32> to vector<16xf32>
        %add3A_667 = arith.addf %while3A_601, %bitcast3A_666 : vector<16xf32>
        %get3A_668 = arith.index_cast %rem3A_372 : i32 to index
        %get3A_669 = arith.index_cast %while3A_588 : i32 to index
        %get3A_670 = arith.constant 80 : index
        %get3A_671 = tpu.vector_load %arg10[%get3A_668, %get3A_669, %get3A_670] {strides = array<i32>} : memref<4x64x128xi32, #tpu.memory_space<vmem>>, vector<16xi32>,
        %shift_left3A_672 = arith.constant 16 : i32
        %shift_left3A_673 = vector.broadcast %shift_left3A_672 : i32 to vector<16xi32>
        %shift_left3A_674 = arith.shli %get3A_671, %shift_left3A_673 : vector<16xi32>
        %bitcast3A_675 = vector.bitcast %shift_left3A_674 : vector<16xi32> to vector<16xf32>
        %add3A_676 = arith.addf %while3A_594, %bitcast3A_675 : vector<16xf32>
        %and3A_677 = vector.broadcast %scan3A : i32 to vector<16xi32>
        %and3A_678 = arith.andi %get3A_671, %and3A_677 : vector<16xi32>
        %bitcast3A_679 = vector.bitcast %and3A_678 : vector<16xi32> to vector<16xf32>
        %add3A_680 = arith.addf %while3A_602, %bitcast3A_679 : vector<16xf32>
        %get3A_681 = arith.index_cast %rem3A_372 : i32 to index
        %get3A_682 = arith.index_cast %while3A_588 : i32 to index
        %get3A_683 = arith.constant 96 : index
        %get3A_684 = tpu.vector_load %arg10[%get3A_681, %get3A_682, %get3A_683] {strides = array<i32>} : memref<4x64x128xi32, #tpu.memory_space<vmem>>, vector<16xi32>,
        %shift_left3A_685 = arith.constant 16 : i32
        %shift_left3A_686 = vector.broadcast %shift_left3A_685 : i32 to vector<16xi32>
        %shift_left3A_687 = arith.shli %get3A_684, %shift_left3A_686 : vector<16xi32>
        %bitcast3A_688 = vector.bitcast %shift_left3A_687 : vector<16xi32> to vector<16xf32>
        %add3A_689 = arith.addf %while3A_595, %bitcast3A_688 : vector<16xf32>
        %and3A_690 = vector.broadcast %scan3A : i32 to vector<16xi32>
        %and3A_691 = arith.andi %get3A_684, %and3A_690 : vector<16xi32>
        %bitcast3A_692 = vector.bitcast %and3A_691 : vector<16xi32> to vector<16xf32>
        %add3A_693 = arith.addf %while3A_603, %bitcast3A_692 : vector<16xf32>
        %get3A_694 = arith.index_cast %rem3A_372 : i32 to index
        %get3A_695 = arith.index_cast %while3A_588 : i32 to index
        %get3A_696 = arith.constant 112 : index
        %get3A_697 = tpu.vector_load %arg10[%get3A_694, %get3A_695, %get3A_696] {strides = array<i32>} : memref<4x64x128xi32, #tpu.memory_space<vmem>>, vector<16xi32>,
        %shift_left3A_698 = arith.constant 16 : i32
        %shift_left3A_699 = vector.broadcast %shift_left3A_698 : i32 to vector<16xi32>
        %shift_left3A_700 = arith.shli %get3A_697, %shift_left3A_699 : vector<16xi32>
        %bitcast3A_701 = vector.bitcast %shift_left3A_700 : vector<16xi32> to vector<16xf32>
        %add3A_702 = arith.addf %while3A_596, %bitcast3A_701 : vector<16xf32>
        %and3A_703 = vector.broadcast %scan3A : i32 to vector<16xi32>
        %and3A_704 = arith.andi %get3A_697, %and3A_703 : vector<16xi32>
        %bitcast3A_705 = vector.bitcast %and3A_704 : vector<16xi32> to vector<16xf32>
        %add3A_706 = arith.addf %while3A_604, %bitcast3A_705 : vector<16xf32>
        scf.yield %add3A_611, %add3A_624, %add3A_637, %add3A_650, %add3A_663, %add3A_676, %add3A_689, %add3A_702, %add3A_615, %add3A_628, %add3A_641, %add3A_654, %add3A_667, %add3A_680, %add3A_693, %add3A_706 : vector<16xf32>, vector<16xf32>, vector<16xf32>, vector<16xf32>, vector<16xf32>, vector<16xf32>, vector<16xf32>, vector<16xf32>, vector<16xf32>, vector<16xf32>, vector<16xf32>, vector<16xf32>, vector<16xf32>, vector<16xf32>, vector<16xf32>, vector<16xf32>
      }
      %while3A_399 = arith.constant 1 : i32
      %while3A_400:16 = scf.for %while3A_588 = %while3A_396 to %while3A_392 step %while3A_399 iter_args(%while3A_589 = %while3A_398#0, %while3A_590 = %while3A_398#1, %while3A_591 = %while3A_398#2, %while3A_592 = %while3A_398#3, %while3A_593 = %while3A_398#4, %while3A_594 = %while3A_398#5, %while3A_595 = %while3A_398#6, %while3A_596 = %while3A_398#7, %while3A_597 = %while3A_398#8, %while3A_598 = %while3A_398#9, %while3A_599 = %while3A_398#10, %while3A_600 = %while3A_398#11, %while3A_601 = %while3A_398#12, %while3A_602 = %while3A_398#13, %while3A_603 = %while3A_398#14, %while3A_604 = %while3A_398#15) -> (vector<16xf32>, vector<16xf32>, vector<16xf32>, vector<16xf32>, vector<16xf32>, vector<16xf32>, vector<16xf32>, vector<16xf32>, vector<16xf32>, vector<16xf32>, vector<16xf32>, vector<16xf32>, vector<16xf32>, vector<16xf32>, vector<16xf32>, vector<16xf32>)  : i32 {
        %get3A_605 = arith.index_cast %rem3A_372 : i32 to index
        %get3A_606 = arith.index_cast %while3A_588 : i32 to index
        %get3A_607 = arith.constant 0 : index
        %get3A_608 = tpu.vector_load %arg10[%get3A_605, %get3A_606, %get3A_607] {strides = array<i32>} : memref<4x64x128xi32, #tpu.memory_space<vmem>>, vector<16xi32>,
        %shift_left3A = arith.constant 16 : i32
        %shift_left3A_609 = vector.broadcast %shift_left3A : i32 to vector<16xi32>
        %shift_left3A_610 = arith.shli %get3A_608, %shift_left3A_609 : vector<16xi32>
        %bitcast3A = vector.bitcast %shift_left3A_610 : vector<16xi32> to vector<16xf32>
        %add3A_611 = arith.addf %while3A_589, %bitcast3A : vector<16xf32>
        %and3A_612 = vector.broadcast %scan3A : i32 to vector<16xi32>
        %and3A_613 = arith.andi %get3A_608, %and3A_612 : vector<16xi32>
        %bitcast3A_614 = vector.bitcast %and3A_613 : vector<16xi32> to vector<16xf32>
        %add3A_615 = arith.addf %while3A_597, %bitcast3A_614 : vector<16xf32>
        %get3A_616 = arith.index_cast %rem3A_372 : i32 to index
        %get3A_617 = arith.index_cast %while3A_588 : i32 to index
        %get3A_618 = arith.constant 16 : index
        %get3A_619 = tpu.vector_load %arg10[%get3A_616, %get3A_617, %get3A_618] {strides = array<i32>} : memref<4x64x128xi32, #tpu.memory_space<vmem>>, vector<16xi32>,
        %shift_left3A_620 = arith.constant 16 : i32
        %shift_left3A_621 = vector.broadcast %shift_left3A_620 : i32 to vector<16xi32>
        %shift_left3A_622 = arith.shli %get3A_619, %shift_left3A_621 : vector<16xi32>
        %bitcast3A_623 = vector.bitcast %shift_left3A_622 : vector<16xi32> to vector<16xf32>
        %add3A_624 = arith.addf %while3A_590, %bitcast3A_623 : vector<16xf32>
        %and3A_625 = vector.broadcast %scan3A : i32 to vector<16xi32>
        %and3A_626 = arith.andi %get3A_619, %and3A_625 : vector<16xi32>
        %bitcast3A_627 = vector.bitcast %and3A_626 : vector<16xi32> to vector<16xf32>
        %add3A_628 = arith.addf %while3A_598, %bitcast3A_627 : vector<16xf32>
        %get3A_629 = arith.index_cast %rem3A_372 : i32 to index
        %get3A_630 = arith.index_cast %while3A_588 : i32 to index
        %get3A_631 = arith.constant 32 : index
        %get3A_632 = tpu.vector_load %arg10[%get3A_629, %get3A_630, %get3A_631] {strides = array<i32>} : memref<4x64x128xi32, #tpu.memory_space<vmem>>, vector<16xi32>,
        %shift_left3A_633 = arith.constant 16 : i32
        %shift_left3A_634 = vector.broadcast %shift_left3A_633 : i32 to vector<16xi32>
        %shift_left3A_635 = arith.shli %get3A_632, %shift_left3A_634 : vector<16xi32>
        %bitcast3A_636 = vector.bitcast %shift_left3A_635 : vector<16xi32> to vector<16xf32>
        %add3A_637 = arith.addf %while3A_591, %bitcast3A_636 : vector<16xf32>
        %and3A_638 = vector.broadcast %scan3A : i32 to vector<16xi32>
        %and3A_639 = arith.andi %get3A_632, %and3A_638 : vector<16xi32>
        %bitcast3A_640 = vector.bitcast %and3A_639 : vector<16xi32> to vector<16xf32>
        %add3A_641 = arith.addf %while3A_599, %bitcast3A_640 : vector<16xf32>
        %get3A_642 = arith.index_cast %rem3A_372 : i32 to index
        %get3A_643 = arith.index_cast %while3A_588 : i32 to index
        %get3A_644 = arith.constant 48 : index
        %get3A_645 = tpu.vector_load %arg10[%get3A_642, %get3A_643, %get3A_644] {strides = array<i32>} : memref<4x64x128xi32, #tpu.memory_space<vmem>>, vector<16xi32>,
        %shift_left3A_646 = arith.constant 16 : i32
        %shift_left3A_647 = vector.broadcast %shift_left3A_646 : i32 to vector<16xi32>
        %shift_left3A_648 = arith.shli %get3A_645, %shift_left3A_647 : vector<16xi32>
        %bitcast3A_649 = vector.bitcast %shift_left3A_648 : vector<16xi32> to vector<16xf32>
        %add3A_650 = arith.addf %while3A_592, %bitcast3A_649 : vector<16xf32>
        %and3A_651 = vector.broadcast %scan3A : i32 to vector<16xi32>
        %and3A_652 = arith.andi %get3A_645, %and3A_651 : vector<16xi32>
        %bitcast3A_653 = vector.bitcast %and3A_652 : vector<16xi32> to vector<16xf32>
        %add3A_654 = arith.addf %while3A_600, %bitcast3A_653 : vector<16xf32>
        %get3A_655 = arith.index_cast %rem3A_372 : i32 to index
        %get3A_656 = arith.index_cast %while3A_588 : i32 to index
        %get3A_657 = arith.constant 64 : index
        %get3A_658 = tpu.vector_load %arg10[%get3A_655, %get3A_656, %get3A_657] {strides = array<i32>} : memref<4x64x128xi32, #tpu.memory_space<vmem>>, vector<16xi32>,
        %shift_left3A_659 = arith.constant 16 : i32
        %shift_left3A_660 = vector.broadcast %shift_left3A_659 : i32 to vector<16xi32>
        %shift_left3A_661 = arith.shli %get3A_658, %shift_left3A_660 : vector<16xi32>
        %bitcast3A_662 = vector.bitcast %shift_left3A_661 : vector<16xi32> to vector<16xf32>
        %add3A_663 = arith.addf %while3A_593, %bitcast3A_662 : vector<16xf32>
        %and3A_664 = vector.broadcast %scan3A : i32 to vector<16xi32>
        %and3A_665 = arith.andi %get3A_658, %and3A_664 : vector<16xi32>
        %bitcast3A_666 = vector.bitcast %and3A_665 : vector<16xi32> to vector<16xf32>
        %add3A_667 = arith.addf %while3A_601, %bitcast3A_666 : vector<16xf32>
        %get3A_668 = arith.index_cast %rem3A_372 : i32 to index
        %get3A_669 = arith.index_cast %while3A_588 : i32 to index
        %get3A_670 = arith.constant 80 : index
        %get3A_671 = tpu.vector_load %arg10[%get3A_668, %get3A_669, %get3A_670] {strides = array<i32>} : memref<4x64x128xi32, #tpu.memory_space<vmem>>, vector<16xi32>,
        %shift_left3A_672 = arith.constant 16 : i32
        %shift_left3A_673 = vector.broadcast %shift_left3A_672 : i32 to vector<16xi32>
        %shift_left3A_674 = arith.shli %get3A_671, %shift_left3A_673 : vector<16xi32>
        %bitcast3A_675 = vector.bitcast %shift_left3A_674 : vector<16xi32> to vector<16xf32>
        %add3A_676 = arith.addf %while3A_594, %bitcast3A_675 : vector<16xf32>
        %and3A_677 = vector.broadcast %scan3A : i32 to vector<16xi32>
        %and3A_678 = arith.andi %get3A_671, %and3A_677 : vector<16xi32>
        %bitcast3A_679 = vector.bitcast %and3A_678 : vector<16xi32> to vector<16xf32>
        %add3A_680 = arith.addf %while3A_602, %bitcast3A_679 : vector<16xf32>
        %get3A_681 = arith.index_cast %rem3A_372 : i32 to index
        %get3A_682 = arith.index_cast %while3A_588 : i32 to index
        %get3A_683 = arith.constant 96 : index
        %get3A_684 = tpu.vector_load %arg10[%get3A_681, %get3A_682, %get3A_683] {strides = array<i32>} : memref<4x64x128xi32, #tpu.memory_space<vmem>>, vector<16xi32>,
        %shift_left3A_685 = arith.constant 16 : i32
        %shift_left3A_686 = vector.broadcast %shift_left3A_685 : i32 to vector<16xi32>
        %shift_left3A_687 = arith.shli %get3A_684, %shift_left3A_686 : vector<16xi32>
        %bitcast3A_688 = vector.bitcast %shift_left3A_687 : vector<16xi32> to vector<16xf32>
        %add3A_689 = arith.addf %while3A_595, %bitcast3A_688 : vector<16xf32>
        %and3A_690 = vector.broadcast %scan3A : i32 to vector<16xi32>
        %and3A_691 = arith.andi %get3A_684, %and3A_690 : vector<16xi32>
        %bitcast3A_692 = vector.bitcast %and3A_691 : vector<16xi32> to vector<16xf32>
        %add3A_693 = arith.addf %while3A_603, %bitcast3A_692 : vector<16xf32>
        %get3A_694 = arith.index_cast %rem3A_372 : i32 to index
        %get3A_695 = arith.index_cast %while3A_588 : i32 to index
        %get3A_696 = arith.constant 112 : index
        %get3A_697 = tpu.vector_load %arg10[%get3A_694, %get3A_695, %get3A_696] {strides = array<i32>} : memref<4x64x128xi32, #tpu.memory_space<vmem>>, vector<16xi32>,
        %shift_left3A_698 = arith.constant 16 : i32
        %shift_left3A_699 = vector.broadcast %shift_left3A_698 : i32 to vector<16xi32>
        %shift_left3A_700 = arith.shli %get3A_697, %shift_left3A_699 : vector<16xi32>
        %bitcast3A_701 = vector.bitcast %shift_left3A_700 : vector<16xi32> to vector<16xf32>
        %add3A_702 = arith.addf %while3A_596, %bitcast3A_701 : vector<16xf32>
        %and3A_703 = vector.broadcast %scan3A : i32 to vector<16xi32>
        %and3A_704 = arith.andi %get3A_697, %and3A_703 : vector<16xi32>
        %bitcast3A_705 = vector.bitcast %and3A_704 : vector<16xi32> to vector<16xf32>
        %add3A_706 = arith.addf %while3A_604, %bitcast3A_705 : vector<16xf32>
        scf.yield %add3A_611, %add3A_624, %add3A_637, %add3A_650, %add3A_663, %add3A_676, %add3A_689, %add3A_702, %add3A_615, %add3A_628, %add3A_641, %add3A_654, %add3A_667, %add3A_680, %add3A_693, %add3A_706 : vector<16xf32>, vector<16xf32>, vector<16xf32>, vector<16xf32>, vector<16xf32>, vector<16xf32>, vector<16xf32>, vector<16xf32>, vector<16xf32>, vector<16xf32>, vector<16xf32>, vector<16xf32>, vector<16xf32>, vector<16xf32>, vector<16xf32>, vector<16xf32>
      }
      %rem3A_401 = arith.constant 2 : i32
      %rem3A_402 = arith.remsi %scan3A_365, %rem3A_401 : i32
      %ge3A = arith.constant 2 : i32
      %ge3A_403 = arith.cmpi sge, %scan3A_365, %ge3A : i32
      %convert_element_type3A_404 = arith.extui %ge3A_403 : i1 to i32
      %cond3A_405 = arith.constant 0 : i32
      %cond3A_406 = arith.cmpi ne, %convert_element_type3A_404, %cond3A_405 : i32
      scf.if %cond3A_406 {
        %dma_wait3A_588 = arith.constant 0 : i32
        %dma_wait3A_589 = tpu.memref_slice %arg11[%rem3A_402, %dma_wait3A_588] : memref<2x256xf32, #tpu.memory_space<vmem>> -> memref<1x256xf32, #tpu.memory_space<vmem>>
        %dma_wait3A_590 = tpu.memref_squeeze %dma_wait3A_589 : memref<1x256xf32, #tpu.memory_space<vmem>> -> memref<256xf32, #tpu.memory_space<vmem>>
        %dma_wait3A_591 = arith.constant 0 : i32
        %dma_wait3A_592 = tpu.memref_slice %arg6[%dma_wait3A_591] : memref<4194304xf32, #tpu.memory_space<hbm>> -> memref<256xf32, #tpu.memory_space<hbm>>
        %dma_wait3A_593 = arith.constant 0 : i32
        %dma_wait3A_594 = tpu.memref_slice %arg6[%dma_wait3A_593] : memref<4194304xf32, #tpu.memory_space<hbm>> -> memref<256xf32, #tpu.memory_space<hbm>>
        %dma_wait3A_595 = arith.constant 0 : i32
        %dma_wait3A_596 = tpu.memref_slice %arg11[%rem3A_402, %dma_wait3A_595] : memref<2x256xf32, #tpu.memory_space<vmem>> -> memref<1x256xf32, #tpu.memory_space<vmem>>
        %dma_wait3A_597 = tpu.memref_squeeze %dma_wait3A_596 : memref<1x256xf32, #tpu.memory_space<vmem>> -> memref<256xf32, #tpu.memory_space<vmem>>
        tpu.wait_dma2 semaphore(%arg14 : memref<!tpu.dma_semaphore, #tpu.memory_space<semaphore_mem>>) src(%dma_wait3A_597 : memref<256xf32, #tpu.memory_space<vmem>>) dst(%dma_wait3A_594 : memref<256xf32, #tpu.memory_space<hbm>>)
      } else {
      }
      %broadcast_in_dim3A_407 = vector.broadcast %scan3A_367 : i32 to vector<16xi32>
      %convert_element_type3A_408 = arith.sitofp %broadcast_in_dim3A_407 : vector<16xi32> to vector<16xf32>
      %gt3A = arith.constant 0 : i32
      %gt3A_409 = vector.broadcast %gt3A : i32 to vector<16xi32>
      %gt3A_410 = arith.cmpi sgt, %broadcast_in_dim3A_407, %gt3A_409 : vector<16xi32>
      %max3A = arith.constant 1.000000e+00 : f32
      %max3A_411 = vector.broadcast %max3A : f32 to vector<16xf32>
      %max3A_412 = arith.maximumf %convert_element_type3A_408, %max3A_411 : vector<16xf32>
      %div3A = arith.constant 1.000000e+00 : f32
      %div3A_413 = vector.broadcast %div3A : f32 to vector<16xf32>
      %div3A_414 = arith.divf %div3A_413, %max3A_412 : vector<16xf32>
      %jit3A = arith.constant 0.000000e+00 : f32
      %broadcast_in_dim3A_415 = vector.broadcast %jit3A : f32 to vector<16xf32>
      %select_n3A = arith.select %gt3A_410, %div3A_414, %broadcast_in_dim3A_415 : vector<16xi1>, vector<16xf32>
      %get3A_416 = arith.constant 0 : index
      %get3A_417 = tpu.vector_load %arg12[%get3A_416] {strides = array<i32>} : memref<256xf32, #tpu.memory_space<vmem>>, vector<16xf32>,
      %jit3A_418 = arith.constant 0.000000e+00 : f32
      %broadcast_in_dim3A_419 = vector.broadcast %jit3A_418 : f32 to vector<16xf32>
      %select_n3A_420 = arith.select %gt3A_410, %get3A_417, %broadcast_in_dim3A_419 : vector<16xi1>, vector<16xf32>
      %get3A_421 = arith.constant 128 : index
      %get3A_422 = tpu.vector_load %arg12[%get3A_421] {strides = array<i32>} : memref<256xf32, #tpu.memory_space<vmem>>, vector<16xf32>,
      %jit3A_423 = arith.constant 0.000000e+00 : f32
      %broadcast_in_dim3A_424 = vector.broadcast %jit3A_423 : f32 to vector<16xf32>
      %select_n3A_425 = arith.select %gt3A_410, %get3A_422, %broadcast_in_dim3A_424 : vector<16xi1>, vector<16xf32>
      %mul3A_426 = arith.mulf %while3A_400#0, %select_n3A : vector<16xf32>
      %add3A_427 = arith.addf %mul3A_426, %select_n3A_420 : vector<16xf32>
      %swap3A_428 = arith.index_cast %rem3A_402 : i32 to index
      %swap3A_429 = arith.constant 0 : index
      %swap3A_430 = tpu.vector_load %arg11[%swap3A_428, %swap3A_429] {strides = array<i32>} : memref<2x256xf32, #tpu.memory_space<vmem>>, vector<16xf32>,
      tpu.vector_store %arg11[%swap3A_428, %swap3A_429], %add3A_427 {strides = array<i32>} : memref<2x256xf32, #tpu.memory_space<vmem>>, vector<16xf32>,
      %mul3A_431 = arith.mulf %while3A_400#8, %select_n3A : vector<16xf32>
      %add3A_432 = arith.addf %mul3A_431, %select_n3A_425 : vector<16xf32>
      %swap3A_433 = arith.index_cast %rem3A_402 : i32 to index
      %swap3A_434 = arith.constant 128 : index
      %swap3A_435 = tpu.vector_load %arg11[%swap3A_433, %swap3A_434] {strides = array<i32>} : memref<2x256xf32, #tpu.memory_space<vmem>>, vector<16xf32>,
      tpu.vector_store %arg11[%swap3A_433, %swap3A_434], %add3A_432 {strides = array<i32>} : memref<2x256xf32, #tpu.memory_space<vmem>>, vector<16xf32>,
      %get3A_436 = arith.constant 16 : index
      %get3A_437 = tpu.vector_load %arg12[%get3A_436] {strides = array<i32>} : memref<256xf32, #tpu.memory_space<vmem>>, vector<16xf32>,
      %jit3A_438 = arith.constant 0.000000e+00 : f32
      %broadcast_in_dim3A_439 = vector.broadcast %jit3A_438 : f32 to vector<16xf32>
      %select_n3A_440 = arith.select %gt3A_410, %get3A_437, %broadcast_in_dim3A_439 : vector<16xi1>, vector<16xf32>
      %get3A_441 = arith.constant 144 : index
      %get3A_442 = tpu.vector_load %arg12[%get3A_441] {strides = array<i32>} : memref<256xf32, #tpu.memory_space<vmem>>, vector<16xf32>,
      %jit3A_443 = arith.constant 0.000000e+00 : f32
      %broadcast_in_dim3A_444 = vector.broadcast %jit3A_443 : f32 to vector<16xf32>
      %select_n3A_445 = arith.select %gt3A_410, %get3A_442, %broadcast_in_dim3A_444 : vector<16xi1>, vector<16xf32>
      %mul3A_446 = arith.mulf %while3A_400#1, %select_n3A : vector<16xf32>
      %add3A_447 = arith.addf %mul3A_446, %select_n3A_440 : vector<16xf32>
      %swap3A_448 = arith.index_cast %rem3A_402 : i32 to index
      %swap3A_449 = arith.constant 16 : index
      %swap3A_450 = tpu.vector_load %arg11[%swap3A_448, %swap3A_449] {strides = array<i32>} : memref<2x256xf32, #tpu.memory_space<vmem>>, vector<16xf32>,
      tpu.vector_store %arg11[%swap3A_448, %swap3A_449], %add3A_447 {strides = array<i32>} : memref<2x256xf32, #tpu.memory_space<vmem>>, vector<16xf32>,
      %mul3A_451 = arith.mulf %while3A_400#9, %select_n3A : vector<16xf32>
      %add3A_452 = arith.addf %mul3A_451, %select_n3A_445 : vector<16xf32>
      %swap3A_453 = arith.index_cast %rem3A_402 : i32 to index
      %swap3A_454 = arith.constant 144 : index
      %swap3A_455 = tpu.vector_load %arg11[%swap3A_453, %swap3A_454] {strides = array<i32>} : memref<2x256xf32, #tpu.memory_space<vmem>>, vector<16xf32>,
      tpu.vector_store %arg11[%swap3A_453, %swap3A_454], %add3A_452 {strides = array<i32>} : memref<2x256xf32, #tpu.memory_space<vmem>>, vector<16xf32>,
      %get3A_456 = arith.constant 32 : index
      %get3A_457 = tpu.vector_load %arg12[%get3A_456] {strides = array<i32>} : memref<256xf32, #tpu.memory_space<vmem>>, vector<16xf32>,
      %jit3A_458 = arith.constant 0.000000e+00 : f32
      %broadcast_in_dim3A_459 = vector.broadcast %jit3A_458 : f32 to vector<16xf32>
      %select_n3A_460 = arith.select %gt3A_410, %get3A_457, %broadcast_in_dim3A_459 : vector<16xi1>, vector<16xf32>
      %get3A_461 = arith.constant 160 : index
      %get3A_462 = tpu.vector_load %arg12[%get3A_461] {strides = array<i32>} : memref<256xf32, #tpu.memory_space<vmem>>, vector<16xf32>,
      %jit3A_463 = arith.constant 0.000000e+00 : f32
      %broadcast_in_dim3A_464 = vector.broadcast %jit3A_463 : f32 to vector<16xf32>
      %select_n3A_465 = arith.select %gt3A_410, %get3A_462, %broadcast_in_dim3A_464 : vector<16xi1>, vector<16xf32>
      %mul3A_466 = arith.mulf %while3A_400#2, %select_n3A : vector<16xf32>
      %add3A_467 = arith.addf %mul3A_466, %select_n3A_460 : vector<16xf32>
      %swap3A_468 = arith.index_cast %rem3A_402 : i32 to index
      %swap3A_469 = arith.constant 32 : index
      %swap3A_470 = tpu.vector_load %arg11[%swap3A_468, %swap3A_469] {strides = array<i32>} : memref<2x256xf32, #tpu.memory_space<vmem>>, vector<16xf32>,
      tpu.vector_store %arg11[%swap3A_468, %swap3A_469], %add3A_467 {strides = array<i32>} : memref<2x256xf32, #tpu.memory_space<vmem>>, vector<16xf32>,
      %mul3A_471 = arith.mulf %while3A_400#10, %select_n3A : vector<16xf32>
      %add3A_472 = arith.addf %mul3A_471, %select_n3A_465 : vector<16xf32>
      %swap3A_473 = arith.index_cast %rem3A_402 : i32 to index
      %swap3A_474 = arith.constant 160 : index
      %swap3A_475 = tpu.vector_load %arg11[%swap3A_473, %swap3A_474] {strides = array<i32>} : memref<2x256xf32, #tpu.memory_space<vmem>>, vector<16xf32>,
      tpu.vector_store %arg11[%swap3A_473, %swap3A_474], %add3A_472 {strides = array<i32>} : memref<2x256xf32, #tpu.memory_space<vmem>>, vector<16xf32>,
      %get3A_476 = arith.constant 48 : index
      %get3A_477 = tpu.vector_load %arg12[%get3A_476] {strides = array<i32>} : memref<256xf32, #tpu.memory_space<vmem>>, vector<16xf32>,
      %jit3A_478 = arith.constant 0.000000e+00 : f32
      %broadcast_in_dim3A_479 = vector.broadcast %jit3A_478 : f32 to vector<16xf32>
      %select_n3A_480 = arith.select %gt3A_410, %get3A_477, %broadcast_in_dim3A_479 : vector<16xi1>, vector<16xf32>
      %get3A_481 = arith.constant 176 : index
      %get3A_482 = tpu.vector_load %arg12[%get3A_481] {strides = array<i32>} : memref<256xf32, #tpu.memory_space<vmem>>, vector<16xf32>,
      %jit3A_483 = arith.constant 0.000000e+00 : f32
      %broadcast_in_dim3A_484 = vector.broadcast %jit3A_483 : f32 to vector<16xf32>
      %select_n3A_485 = arith.select %gt3A_410, %get3A_482, %broadcast_in_dim3A_484 : vector<16xi1>, vector<16xf32>
      %mul3A_486 = arith.mulf %while3A_400#3, %select_n3A : vector<16xf32>
      %add3A_487 = arith.addf %mul3A_486, %select_n3A_480 : vector<16xf32>
      %swap3A_488 = arith.index_cast %rem3A_402 : i32 to index
      %swap3A_489 = arith.constant 48 : index
      %swap3A_490 = tpu.vector_load %arg11[%swap3A_488, %swap3A_489] {strides = array<i32>} : memref<2x256xf32, #tpu.memory_space<vmem>>, vector<16xf32>,
      tpu.vector_store %arg11[%swap3A_488, %swap3A_489], %add3A_487 {strides = array<i32>} : memref<2x256xf32, #tpu.memory_space<vmem>>, vector<16xf32>,
      %mul3A_491 = arith.mulf %while3A_400#11, %select_n3A : vector<16xf32>
      %add3A_492 = arith.addf %mul3A_491, %select_n3A_485 : vector<16xf32>
      %swap3A_493 = arith.index_cast %rem3A_402 : i32 to index
      %swap3A_494 = arith.constant 176 : index
      %swap3A_495 = tpu.vector_load %arg11[%swap3A_493, %swap3A_494] {strides = array<i32>} : memref<2x256xf32, #tpu.memory_space<vmem>>, vector<16xf32>,
      tpu.vector_store %arg11[%swap3A_493, %swap3A_494], %add3A_492 {strides = array<i32>} : memref<2x256xf32, #tpu.memory_space<vmem>>, vector<16xf32>,
      %get3A_496 = arith.constant 64 : index
      %get3A_497 = tpu.vector_load %arg12[%get3A_496] {strides = array<i32>} : memref<256xf32, #tpu.memory_space<vmem>>, vector<16xf32>,
      %jit3A_498 = arith.constant 0.000000e+00 : f32
      %broadcast_in_dim3A_499 = vector.broadcast %jit3A_498 : f32 to vector<16xf32>
      %select_n3A_500 = arith.select %gt3A_410, %get3A_497, %broadcast_in_dim3A_499 : vector<16xi1>, vector<16xf32>
      %get3A_501 = arith.constant 192 : index
      %get3A_502 = tpu.vector_load %arg12[%get3A_501] {strides = array<i32>} : memref<256xf32, #tpu.memory_space<vmem>>, vector<16xf32>,
      %jit3A_503 = arith.constant 0.000000e+00 : f32
      %broadcast_in_dim3A_504 = vector.broadcast %jit3A_503 : f32 to vector<16xf32>
      %select_n3A_505 = arith.select %gt3A_410, %get3A_502, %broadcast_in_dim3A_504 : vector<16xi1>, vector<16xf32>
      %mul3A_506 = arith.mulf %while3A_400#4, %select_n3A : vector<16xf32>
      %add3A_507 = arith.addf %mul3A_506, %select_n3A_500 : vector<16xf32>
      %swap3A_508 = arith.index_cast %rem3A_402 : i32 to index
      %swap3A_509 = arith.constant 64 : index
      %swap3A_510 = tpu.vector_load %arg11[%swap3A_508, %swap3A_509] {strides = array<i32>} : memref<2x256xf32, #tpu.memory_space<vmem>>, vector<16xf32>,
      tpu.vector_store %arg11[%swap3A_508, %swap3A_509], %add3A_507 {strides = array<i32>} : memref<2x256xf32, #tpu.memory_space<vmem>>, vector<16xf32>,
      %mul3A_511 = arith.mulf %while3A_400#12, %select_n3A : vector<16xf32>
      %add3A_512 = arith.addf %mul3A_511, %select_n3A_505 : vector<16xf32>
      %swap3A_513 = arith.index_cast %rem3A_402 : i32 to index
      %swap3A_514 = arith.constant 192 : index
      %swap3A_515 = tpu.vector_load %arg11[%swap3A_513, %swap3A_514] {strides = array<i32>} : memref<2x256xf32, #tpu.memory_space<vmem>>, vector<16xf32>,
      tpu.vector_store %arg11[%swap3A_513, %swap3A_514], %add3A_512 {strides = array<i32>} : memref<2x256xf32, #tpu.memory_space<vmem>>, vector<16xf32>,
      %get3A_516 = arith.constant 80 : index
      %get3A_517 = tpu.vector_load %arg12[%get3A_516] {strides = array<i32>} : memref<256xf32, #tpu.memory_space<vmem>>, vector<16xf32>,
      %jit3A_518 = arith.constant 0.000000e+00 : f32
      %broadcast_in_dim3A_519 = vector.broadcast %jit3A_518 : f32 to vector<16xf32>
      %select_n3A_520 = arith.select %gt3A_410, %get3A_517, %broadcast_in_dim3A_519 : vector<16xi1>, vector<16xf32>
      %get3A_521 = arith.constant 208 : index
      %get3A_522 = tpu.vector_load %arg12[%get3A_521] {strides = array<i32>} : memref<256xf32, #tpu.memory_space<vmem>>, vector<16xf32>,
      %jit3A_523 = arith.constant 0.000000e+00 : f32
      %broadcast_in_dim3A_524 = vector.broadcast %jit3A_523 : f32 to vector<16xf32>
      %select_n3A_525 = arith.select %gt3A_410, %get3A_522, %broadcast_in_dim3A_524 : vector<16xi1>, vector<16xf32>
      %mul3A_526 = arith.mulf %while3A_400#5, %select_n3A : vector<16xf32>
      %add3A_527 = arith.addf %mul3A_526, %select_n3A_520 : vector<16xf32>
      %swap3A_528 = arith.index_cast %rem3A_402 : i32 to index
      %swap3A_529 = arith.constant 80 : index
      %swap3A_530 = tpu.vector_load %arg11[%swap3A_528, %swap3A_529] {strides = array<i32>} : memref<2x256xf32, #tpu.memory_space<vmem>>, vector<16xf32>,
      tpu.vector_store %arg11[%swap3A_528, %swap3A_529], %add3A_527 {strides = array<i32>} : memref<2x256xf32, #tpu.memory_space<vmem>>, vector<16xf32>,
      %mul3A_531 = arith.mulf %while3A_400#13, %select_n3A : vector<16xf32>
      %add3A_532 = arith.addf %mul3A_531, %select_n3A_525 : vector<16xf32>
      %swap3A_533 = arith.index_cast %rem3A_402 : i32 to index
      %swap3A_534 = arith.constant 208 : index
      %swap3A_535 = tpu.vector_load %arg11[%swap3A_533, %swap3A_534] {strides = array<i32>} : memref<2x256xf32, #tpu.memory_space<vmem>>, vector<16xf32>,
      tpu.vector_store %arg11[%swap3A_533, %swap3A_534], %add3A_532 {strides = array<i32>} : memref<2x256xf32, #tpu.memory_space<vmem>>, vector<16xf32>,
      %get3A_536 = arith.constant 96 : index
      %get3A_537 = tpu.vector_load %arg12[%get3A_536] {strides = array<i32>} : memref<256xf32, #tpu.memory_space<vmem>>, vector<16xf32>,
      %jit3A_538 = arith.constant 0.000000e+00 : f32
      %broadcast_in_dim3A_539 = vector.broadcast %jit3A_538 : f32 to vector<16xf32>
      %select_n3A_540 = arith.select %gt3A_410, %get3A_537, %broadcast_in_dim3A_539 : vector<16xi1>, vector<16xf32>
      %get3A_541 = arith.constant 224 : index
      %get3A_542 = tpu.vector_load %arg12[%get3A_541] {strides = array<i32>} : memref<256xf32, #tpu.memory_space<vmem>>, vector<16xf32>,
      %jit3A_543 = arith.constant 0.000000e+00 : f32
      %broadcast_in_dim3A_544 = vector.broadcast %jit3A_543 : f32 to vector<16xf32>
      %select_n3A_545 = arith.select %gt3A_410, %get3A_542, %broadcast_in_dim3A_544 : vector<16xi1>, vector<16xf32>
      %mul3A_546 = arith.mulf %while3A_400#6, %select_n3A : vector<16xf32>
      %add3A_547 = arith.addf %mul3A_546, %select_n3A_540 : vector<16xf32>
      %swap3A_548 = arith.index_cast %rem3A_402 : i32 to index
      %swap3A_549 = arith.constant 96 : index
      %swap3A_550 = tpu.vector_load %arg11[%swap3A_548, %swap3A_549] {strides = array<i32>} : memref<2x256xf32, #tpu.memory_space<vmem>>, vector<16xf32>,
      tpu.vector_store %arg11[%swap3A_548, %swap3A_549], %add3A_547 {strides = array<i32>} : memref<2x256xf32, #tpu.memory_space<vmem>>, vector<16xf32>,
      %mul3A_551 = arith.mulf %while3A_400#14, %select_n3A : vector<16xf32>
      %add3A_552 = arith.addf %mul3A_551, %select_n3A_545 : vector<16xf32>
      %swap3A_553 = arith.index_cast %rem3A_402 : i32 to index
      %swap3A_554 = arith.constant 224 : index
      %swap3A_555 = tpu.vector_load %arg11[%swap3A_553, %swap3A_554] {strides = array<i32>} : memref<2x256xf32, #tpu.memory_space<vmem>>, vector<16xf32>,
      tpu.vector_store %arg11[%swap3A_553, %swap3A_554], %add3A_552 {strides = array<i32>} : memref<2x256xf32, #tpu.memory_space<vmem>>, vector<16xf32>,
      %get3A_556 = arith.constant 112 : index
      %get3A_557 = tpu.vector_load %arg12[%get3A_556] {strides = array<i32>} : memref<256xf32, #tpu.memory_space<vmem>>, vector<16xf32>,
      %jit3A_558 = arith.constant 0.000000e+00 : f32
      %broadcast_in_dim3A_559 = vector.broadcast %jit3A_558 : f32 to vector<16xf32>
      %select_n3A_560 = arith.select %gt3A_410, %get3A_557, %broadcast_in_dim3A_559 : vector<16xi1>, vector<16xf32>
      %get3A_561 = arith.constant 240 : index
      %get3A_562 = tpu.vector_load %arg12[%get3A_561] {strides = array<i32>} : memref<256xf32, #tpu.memory_space<vmem>>, vector<16xf32>,
      %jit3A_563 = arith.constant 0.000000e+00 : f32
      %broadcast_in_dim3A_564 = vector.broadcast %jit3A_563 : f32 to vector<16xf32>
      %select_n3A_565 = arith.select %gt3A_410, %get3A_562, %broadcast_in_dim3A_564 : vector<16xi1>, vector<16xf32>
      %mul3A_566 = arith.mulf %while3A_400#7, %select_n3A : vector<16xf32>
      %add3A_567 = arith.addf %mul3A_566, %select_n3A_560 : vector<16xf32>
      %swap3A_568 = arith.index_cast %rem3A_402 : i32 to index
      %swap3A_569 = arith.constant 112 : index
      %swap3A_570 = tpu.vector_load %arg11[%swap3A_568, %swap3A_569] {strides = array<i32>} : memref<2x256xf32, #tpu.memory_space<vmem>>, vector<16xf32>,
      tpu.vector_store %arg11[%swap3A_568, %swap3A_569], %add3A_567 {strides = array<i32>} : memref<2x256xf32, #tpu.memory_space<vmem>>, vector<16xf32>,
      %mul3A_571 = arith.mulf %while3A_400#15, %select_n3A : vector<16xf32>
      %add3A_572 = arith.addf %mul3A_571, %select_n3A_565 : vector<16xf32>
      %swap3A_573 = arith.index_cast %rem3A_402 : i32 to index
      %swap3A_574 = arith.constant 240 : index
      %swap3A_575 = tpu.vector_load %arg11[%swap3A_573, %swap3A_574] {strides = array<i32>} : memref<2x256xf32, #tpu.memory_space<vmem>>, vector<16xf32>,
      tpu.vector_store %arg11[%swap3A_573, %swap3A_574], %add3A_572 {strides = array<i32>} : memref<2x256xf32, #tpu.memory_space<vmem>>, vector<16xf32>,
      %mul3A_576 = arith.constant 512 : i32
      %mul3A_577 = arith.muli %add3A, %mul3A_576 : i32
      %add3A_578 = arith.addi %mul3A_577, %scan3A_365 : i32
      %mul3A_579 = arith.constant 256 : i32
      %mul3A_580 = arith.muli %add3A_578, %mul3A_579 : i32
      %dma_start3A = arith.constant 0 : i32
      %dma_start3A_581 = tpu.memref_slice %arg11[%rem3A_402, %dma_start3A] : memref<2x256xf32, #tpu.memory_space<vmem>> -> memref<1x256xf32, #tpu.memory_space<vmem>>
      %dma_start3A_582 = tpu.memref_squeeze %dma_start3A_581 : memref<1x256xf32, #tpu.memory_space<vmem>> -> memref<256xf32, #tpu.memory_space<vmem>>
      %dma_start3A_583 = tpu.memref_slice %arg6[%mul3A_580] : memref<4194304xf32, #tpu.memory_space<hbm>> -> memref<256xf32, #tpu.memory_space<hbm>>
      %dma_start3A_584 = tpu.memref_slice %arg6[%mul3A_580] : memref<4194304xf32, #tpu.memory_space<hbm>> -> memref<256xf32, #tpu.memory_space<hbm>>
      %dma_start3A_585 = arith.constant 0 : i32
      %dma_start3A_586 = tpu.memref_slice %arg11[%rem3A_402, %dma_start3A_585] : memref<2x256xf32, #tpu.memory_space<vmem>> -> memref<1x256xf32, #tpu.memory_space<vmem>>
      %dma_start3A_587 = tpu.memref_squeeze %dma_start3A_586 : memref<1x256xf32, #tpu.memory_space<vmem>> -> memref<256xf32, #tpu.memory_space<vmem>>
      tpu.enqueue_dma source(%dma_start3A_587 : memref<256xf32, #tpu.memory_space<vmem>>) target(%dma_start3A_584 : memref<256xf32, #tpu.memory_space<hbm>>) target_semaphore(%arg14 : memref<!tpu.dma_semaphore, #tpu.memory_space<semaphore_mem>>)
      scf.yield %scan3A_368, %scan3A_369, %scan3A_370, %scan3A_371, %cond3A_376#0, %cond3A_376#1 : i32, i32, i32, i32, i32, i32
    }
    %scan3A_343 = arith.constant 512 : i32
    %dma_wait3A = arith.constant 0 : i32
    %dma_wait3A_344 = arith.constant 0 : i32
    %dma_wait3A_345 = tpu.memref_slice %arg11[%dma_wait3A, %dma_wait3A_344] : memref<2x256xf32, #tpu.memory_space<vmem>> -> memref<1x256xf32, #tpu.memory_space<vmem>>
    %dma_wait3A_346 = tpu.memref_squeeze %dma_wait3A_345 : memref<1x256xf32, #tpu.memory_space<vmem>> -> memref<256xf32, #tpu.memory_space<vmem>>
    %dma_wait3A_347 = arith.constant 0 : i32
    %dma_wait3A_348 = tpu.memref_slice %arg6[%dma_wait3A_347] : memref<4194304xf32, #tpu.memory_space<hbm>> -> memref<256xf32, #tpu.memory_space<hbm>>
    %dma_wait3A_349 = arith.constant 0 : i32
    %dma_wait3A_350 = tpu.memref_slice %arg6[%dma_wait3A_349] : memref<4194304xf32, #tpu.memory_space<hbm>> -> memref<256xf32, #tpu.memory_space<hbm>>
    %dma_wait3A_351 = arith.constant 0 : i32
    %dma_wait3A_352 = tpu.memref_slice %arg11[%dma_wait3A, %dma_wait3A_351] : memref<2x256xf32, #tpu.memory_space<vmem>> -> memref<1x256xf32, #tpu.memory_space<vmem>>
    %dma_wait3A_353 = tpu.memref_squeeze %dma_wait3A_352 : memref<1x256xf32, #tpu.memory_space<vmem>> -> memref<256xf32, #tpu.memory_space<vmem>>
    tpu.wait_dma2 semaphore(%arg14 : memref<!tpu.dma_semaphore, #tpu.memory_space<semaphore_mem>>) src(%dma_wait3A_353 : memref<256xf32, #tpu.memory_space<vmem>>) dst(%dma_wait3A_350 : memref<256xf32, #tpu.memory_space<hbm>>)
    %dma_wait3A_354 = arith.constant 0 : i32
    %dma_wait3A_355 = arith.constant 0 : i32
    %dma_wait3A_356 = tpu.memref_slice %arg11[%dma_wait3A_354, %dma_wait3A_355] : memref<2x256xf32, #tpu.memory_space<vmem>> -> memref<1x256xf32, #tpu.memory_space<vmem>>
    %dma_wait3A_357 = tpu.memref_squeeze %dma_wait3A_356 : memref<1x256xf32, #tpu.memory_space<vmem>> -> memref<256xf32, #tpu.memory_space<vmem>>
    %dma_wait3A_358 = arith.constant 0 : i32
    %dma_wait3A_359 = tpu.memref_slice %arg6[%dma_wait3A_358] : memref<4194304xf32, #tpu.memory_space<hbm>> -> memref<256xf32, #tpu.memory_space<hbm>>
    %dma_wait3A_360 = arith.constant 0 : i32
    %dma_wait3A_361 = tpu.memref_slice %arg6[%dma_wait3A_360] : memref<4194304xf32, #tpu.memory_space<hbm>> -> memref<256xf32, #tpu.memory_space<hbm>>
    %dma_wait3A_362 = arith.constant 0 : i32
    %dma_wait3A_363 = tpu.memref_slice %arg11[%dma_wait3A_354, %dma_wait3A_362] : memref<2x256xf32, #tpu.memory_space<vmem>> -> memref<1x256xf32, #tpu.memory_space<vmem>>
    %dma_wait3A_364 = tpu.memref_squeeze %dma_wait3A_363 : memref<1x256xf32, #tpu.memory_space<vmem>> -> memref<256xf32, #tpu.memory_space<vmem>>
    tpu.wait_dma2 semaphore(%arg14 : memref<!tpu.dma_semaphore, #tpu.memory_space<semaphore_mem>>) src(%dma_wait3A_364 : memref<256xf32, #tpu.memory_space<vmem>>) dst(%dma_wait3A_361 : memref<256xf32, #tpu.memory_space<hbm>>)
    return
  }
}

module attributes {stable_mosaic.version = 14 : i64} {
  func.func @_ln_table_body(%arg0: i32, %arg1: memref<2000x256xf32, #tpu.memory_space<vmem>>, %arg2: memref<1x256xf32, #tpu.memory_space<vmem>>, %arg3: memref<2000x128xi32, #tpu.memory_space<vmem>>) attributes {dimension_semantics = [#tpu.dimension_semantics<arbitrary>], iteration_bounds = array<i64: 51>, scalar_prefetch = 0 : i64, scratch_operands = 0 : i64, tpu.core_type = #tpu.core_type<tc>, window_params = [{transform_indices = @transform_0, window_bounds = array<i64: 2000, 256>}, {pipeline_mode = #tpu.pipeline_mode<synchronous>, transform_indices = @transform_1, window_bounds = array<i64: 1, 256>}, {transform_indices = @transform_2, window_bounds = array<i64: 2000, 128>}]} {
    %get3A = arith.constant 0 : index
    %get3A_0 = arith.constant 0 : index
    %get3A_1 = vector.load %arg1[%get3A, %get3A_0] : memref<2000x256xf32, #tpu.memory_space<vmem>>, vector<2000x256xf32>
    %reduce_sum3A = arith.constant dense<0.000000e+00> : vector<2000xf32>
    %reduce_sum3A_2 = vector.multi_reduction <add>, %get3A_1, %reduce_sum3A [1] : vector<2000x256xf32> to vector<2000xf32>
    %broadcast_in_dim3A = vector.shape_cast %reduce_sum3A_2 : vector<2000xf32> to vector<2000x1xf32>
    %div3A = arith.constant 2.560000e+02 : f32
    %div3A_3 = vector.broadcast %div3A : f32 to vector<2000x1xf32>
    %div3A_4 = arith.divf %broadcast_in_dim3A, %div3A_3 : vector<2000x1xf32>
    %sub3A = vector.broadcast %div3A_4 : vector<2000x1xf32> to vector<2000x256xf32>
    %sub3A_5 = arith.subf %get3A_1, %sub3A : vector<2000x256xf32>
    %integer_pow3A = arith.mulf %sub3A_5, %sub3A_5 : vector<2000x256xf32>
    %reduce_sum3A_6 = arith.constant dense<0.000000e+00> : vector<2000xf32>
    %reduce_sum3A_7 = vector.multi_reduction <add>, %integer_pow3A, %reduce_sum3A_6 [1] : vector<2000x256xf32> to vector<2000xf32>
    %broadcast_in_dim3A_8 = vector.shape_cast %reduce_sum3A_7 : vector<2000xf32> to vector<2000x1xf32>
    %div3A_9 = arith.constant 2.560000e+02 : f32
    %div3A_10 = vector.broadcast %div3A_9 : f32 to vector<2000x1xf32>
    %div3A_11 = arith.divf %broadcast_in_dim3A_8, %div3A_10 : vector<2000x1xf32>
    %sub3A_12 = vector.broadcast %div3A_4 : vector<2000x1xf32> to vector<2000x256xf32>
    %sub3A_13 = arith.subf %get3A_1, %sub3A_12 : vector<2000x256xf32>
    %add3A = arith.constant 9.99999974E-6 : f32
    %add3A_14 = vector.broadcast %add3A : f32 to vector<2000x1xf32>
    %add3A_15 = arith.addf %div3A_11, %add3A_14 : vector<2000x1xf32>
    %rsqrt3A = math.rsqrt %add3A_15 : vector<2000x1xf32>
    %mul3A = vector.broadcast %rsqrt3A : vector<2000x1xf32> to vector<2000x256xf32>
    %mul3A_16 = arith.mulf %sub3A_13, %mul3A : vector<2000x256xf32>
    %get3A_17 = arith.constant 0 : index
    %get3A_18 = arith.constant 0 : index
    %get3A_19 = vector.load %arg2[%get3A_17, %get3A_18] : memref<1x256xf32, #tpu.memory_space<vmem>>, vector<1x256xf32>
    %mul3A_20 = vector.broadcast %get3A_19 : vector<1x256xf32> to vector<2000x256xf32>
    %mul3A_21 = arith.mulf %mul3A_16, %mul3A_20 : vector<2000x256xf32>
    %mul3A_22 = arith.constant 2000 : i32
    %mul3A_23 = arith.muli %arg0, %mul3A_22 : i32
    %iota3A = tpu.iota {dimensions = array<i32: 0>} : vector<2000x1xi32>
    %add3A_24 = vector.broadcast %mul3A_23 : i32 to vector<2000x1xi32>
    %add3A_25 = arith.addi %add3A_24, %iota3A : vector<2000x1xi32>
    %lt3A = arith.constant 100000 : i32
    %lt3A_26 = vector.broadcast %lt3A : i32 to vector<2000x1xi32>
    %lt3A_27 = arith.cmpi slt, %add3A_25, %lt3A_26 : vector<2000x1xi32>
    %jit3A = arith.constant 0.000000e+00 : f32
    %broadcast_in_dim3A_28 = vector.shape_cast %lt3A_27 : vector<2000x1xi1> to vector<2000x1xi1>
    %broadcast_in_dim3A_29 = vector.broadcast %broadcast_in_dim3A_28 : vector<2000x1xi1> to vector<2000x256xi1>
    %broadcast_in_dim3A_30 = vector.broadcast %jit3A : f32 to vector<2000x256xf32>
    %select_n3A = arith.select %broadcast_in_dim3A_29, %mul3A_21, %broadcast_in_dim3A_30 : vector<2000x256xi1>, vector<2000x256xf32>
    %bitcast_convert_type3A = tpu.bitcast %select_n3A : vector<2000x256xf32> -> vector<2000x256xi32>
    %add3A_31 = arith.constant 32767 : i32
    %add3A_32 = vector.broadcast %add3A_31 : i32 to vector<2000x256xi32>
    %add3A_33 = arith.addi %bitcast_convert_type3A, %add3A_32 : vector<2000x256xi32>
    %shift_right_logical3A = arith.constant 16 : i32
    %shift_right_logical3A_34 = vector.broadcast %shift_right_logical3A : i32 to vector<2000x256xi32>
    %shift_right_logical3A_35 = arith.shrui %bitcast_convert_type3A, %shift_right_logical3A_34 : vector<2000x256xi32>
    %and3A = arith.constant 1 : i32
    %and3A_36 = vector.broadcast %and3A : i32 to vector<2000x256xi32>
    %and3A_37 = arith.andi %shift_right_logical3A_35, %and3A_36 : vector<2000x256xi32>
    %add3A_38 = arith.addi %add3A_33, %and3A_37 : vector<2000x256xi32>
    %shift_right_logical3A_39 = arith.constant 16 : i32
    %shift_right_logical3A_40 = vector.broadcast %shift_right_logical3A_39 : i32 to vector<2000x256xi32>
    %shift_right_logical3A_41 = arith.shrui %add3A_38, %shift_right_logical3A_40 : vector<2000x256xi32>
    %slice3A = vector.extract_strided_slice %shift_right_logical3A_41 {offsets = [0, 0], sizes = [2000, 128], strides = [1, 1]} : vector<2000x256xi32> to vector<2000x128xi32>
    %slice3A_42 = vector.extract_strided_slice %shift_right_logical3A_41 {offsets = [0, 128], sizes = [2000, 128], strides = [1, 1]} : vector<2000x256xi32> to vector<2000x128xi32>
    %shift_left3A = arith.constant 16 : i32
    %shift_left3A_43 = vector.broadcast %shift_left3A : i32 to vector<2000x128xi32>
    %shift_left3A_44 = arith.shli %slice3A_42, %shift_left3A_43 : vector<2000x128xi32>
    %or3A = arith.ori %slice3A, %shift_left3A_44 : vector<2000x128xi32>
    %swap3A = arith.constant 0 : index
    %swap3A_45 = arith.constant 0 : index
    %swap3A_46 = vector.load %arg3[%swap3A, %swap3A_45] : memref<2000x128xi32, #tpu.memory_space<vmem>>, vector<2000x128xi32>
    tpu.vector_store %arg3[%swap3A, %swap3A_45], %or3A {strides = array<i32>} : memref<2000x128xi32, #tpu.memory_space<vmem>>, vector<2000x128xi32>,
    return
  }
  func.func @transform_0(%arg0: i32) -> (i32, i32) {
    %min3A = arith.constant 49 : i32
    %min3A_0 = arith.minsi %arg0, %min3A : i32
    %c0_i32 = arith.constant 0 : i32
    %c0_i32_1 = arith.constant 0 : i32
    return %min3A_0, %c0_i32 : i32, i32
  }
  func.func @transform_1(%arg0: i32) -> (i32, i32) {
    %c0_i32 = arith.constant 0 : i32
    %c0_i32_0 = arith.constant 0 : i32
    %c0_i32_1 = arith.constant 0 : i32
    return %c0_i32, %c0_i32_0 : i32, i32
  }
  func.func @transform_2(%arg0: i32) -> (i32, i32) {
    %c0_i32 = arith.constant 0 : i32
    %c0_i32_0 = arith.constant 0 : i32
    return %arg0, %c0_i32 : i32, i32
  }
}

</mosaic_0001>

<sc_bundles>
// kernel: kernel.4.cloned.1.call-start
scs
__scs_entry_jumppad:
0x0: {  	(pc) =	sbr.rel $0x88, $3  }
0x1: {  	(tag) =	ssettag $0x0;
	lr =	simm.s32 $0x1  }
0x2: {  	[smem:$0x3F9C] =	sst lr;
	_ =	strace $0xD0000000  }
0x3: {  	_ = 	snop  }
0x4: {  	_ = 	snop  }
0x5: {  	_ = 	snop  }
0x6: {  	_ = 	snop  }
0x7: {  	_ = 	snop  }
__scs_overlays_trampoline_lowered:
0x8: {  	[smem:$0x3FAB] =	sst s0  }
0x9: {  	[smem:$0x3FAC] =	sst s1  }
0xa: {  	[smem:$0x3FAD] =	sst s2  }
0xb: {  	[smem:$0x3FAE] =	sst s3  }
0xc: {  	[smem:$0x3FAF] =	sst s4  }
0xd: {  	[smem:$0x3FB0] =	sst s5  }
0xe: {  	[smem:$0x3FB1] =	sst s6  }
0xf: {  	[smem:$0x3FB2] =	sst s7  }
0x10: {  	[smem:$0x3FB3] =	sst s8  }
0x11: {  	[smem:$0x3FB4] =	sst s9;
	s0 =	simm.s32 @!p0 $0x0  }
0x12: {  	s1 =	sld [smem:$0x3F9A];
	s0 =	simm.s32 @p0 $0x1  }
0x13: {  	[smem:$0x3FB5] =	sst s0;
	s0 =	simm.s32 @!p1 $0x0  }
0x14: {  	s2 =	sld [smem:$0x3F99];
	s0 =	simm.s32 @p1 $0x1  }
0x15: {  	[smem:$0x3FB6] =	sst s0;
	s0 =	simm.s32 @!p2 $0x0  }
0x16: {  	s3 =	sld [smem:$0x3FDB];
	s0 =	simm.s32 @p2 $0x1  }
0x17: {  	s4 =	simm.s32 $0x1BF5;
	[smem:$0x3FB8] =	sst s0  }
0x18: {  	s0 =	sld [smem:$0x3F9B];
	_ =	swait.ge [sflag:s4], $0x0  }
0x19: {  	s7 =	sld [smem:$0x3F9C]  }
0x1a: {  	s8 =	sadd.s32 $0xFFFFE003, lr  }
0x1b: {  	s9 =	sadd.s32 $0xFFFFFEF7, lr;
	s5 =	simm.s32 $0xFFFFFFFF;
	p2 =	slt.u32 s8, $0xFFFFF086  }
0x1c: {  	p1 =	slt.u32 s9, $0xF7A;
	s5 =	simm.s32 @!p2 $0x0  }
0x1d: {  	s5 =	simm.s32 @p1 $0x1;
	p0 =	seq.s32 s7, s2  }
0x1e: {  	s7 =	smul.u32 @!p0 $0xF7A, s2;
	p2 =	seq.s32 @!p0 s5, $0x0  }
0x1f: {  	s9 =	smul.u32 $0xF7A, s1;
	s8 =	simm.s32 @!p0 $0x1BF5;
	p2 =	por !p2, p0  }
0x20: {  	[sflag:s8] =	ssyncset.s32 @!p0 $0xFFFFF086;
	s6 =	sadd.s32 @!p0 s3, s7;
	s7 =	simm.s32 @!p0 $0x108  }
0x21: {  	s3 =	sadd.s32 s3, s9;
	s6 =	sadd.s32 @!p0 $0x88, s6;
	s7 =	simm.s32 @p2 $0x1082  }
0x22: {  	[simem:s7], [sflag:s8] =	dma.local @!p0 [hbm:s6], $0xF7A  }
0x23: {  	s9 =	sor.u32 $0xD0000000, s2;
	s6 =	simm.s32 $0x108;
	_ =	swait.ge @!p0 [sflag:s8], $0x0  }
0x24: {  	s3 =	sadd.s32 $0x88, s3;
	s6 =	simm.s32 @!p1 $0x1082;
	[sflag:s4] =	ssyncset.s32 $0xFFFFF086  }
0x25: {  	[simem:s6], [sflag:s4] =	dma.local [hbm:s3], $0xF7A  }
0x26: {  	[smem:$0x3F9C] =	sst s1;
	(tag) =	ssettag s2;
	_ =	strace s9  }
0x27: {  	s1 =	sld [smem:$0x3FAC]  }
0x28: {  	s2 =	sld [smem:$0x3FAD]  }
0x29: {  	s4 =	sld [smem:$0x3FAF]  }
0x2a: {  	p0 =	seq.s32 s5, $0x0;
	s5 =	sld [smem:$0x3FB0]  }
0x2b: {  	s6 =	sld [smem:$0x3FB1]  }
0x2c: {  	s7 =	sld [smem:$0x3FB2]  }
0x2d: {  	s3 =	simm.s32 $0x108;
	s8 =	sld [smem:$0x3FB3]  }
0x2e: {  	s3 =	simm.s32 @!p0 $0x1082;
	s9 =	sld [smem:$0x3FB4]  }
0x2f: {  	lr =	sadd.s32 s0, s3;
	s0 =	sld [smem:$0x3FAB]  }
0x30: {  	s3 =	sld [smem:$0x3FAE]  }
0x31: {  	[smem:$0x3FB7] =	sst s10  }
0x32: {  	s10 =	sld [smem:$0x3FB5];
	_ =	sdelay $0x3  }
0x33: {  	p0 =	seq.s32 s10, $0x1;
	s10 =	sld [smem:$0x3FB7];
	_ =	sdelay $0x3  }
0x34: {  	[smem:$0x3FB7] =	sst s10  }
0x35: {  	s10 =	sld [smem:$0x3FB6];
	_ =	sdelay $0x3  }
0x36: {  	p1 =	seq.s32 s10, $0x1;
	s10 =	sld [smem:$0x3FB7];
	_ =	sdelay $0x3  }
0x37: {  	[smem:$0x3FB7] =	sst s10  }
0x38: {  	s10 =	sld [smem:$0x3FB8]  }
0x39: {  	_ = 	snop;
	(pc) =	sbr.ind lr, $3  }
0x3a: {  	_ = 	snop  }
0x3b: {  	_ = 	snop  }
0x3c: {  	p2 =	seq.s32 s10, $0x1;
	s10 =	sld [smem:$0x3FB7]  }
0x3d: {  	_ =	shalt  }
0x3e: {  	_ =	shalt  }
0x3f: {  	_ =	shalt  }
0x40: {  	_ =	shalt  }
0x41: {  	_ =	shalt  }
0x42: {  	_ =	shalt  }
0x43: {  	_ =	shalt  }
0x44: {  	_ =	shalt  }
0x45: {  	_ =	shalt  }
0x46: {  	_ =	shalt  }
0x47: {  	_ =	shalt  }
0x48: {  	_ =	shalt  }
0x49: {  	_ =	shalt  }
0x4a: {  	_ =	shalt  }
0x4b: {  	_ =	shalt  }
0x4c: {  	_ =	shalt  }
0x4d: {  	_ =	shalt  }
0x4e: {  	_ =	shalt  }
0x4f: {  	_ =	shalt  }
0x50: {  	_ =	shalt  }
0x51: {  	_ =	shalt  }
0x52: {  	_ =	shalt  }
0x53: {  	_ =	shalt  }
0x54: {  	_ =	shalt  }
0x55: {  	_ =	shalt  }
0x56: {  	_ =	shalt  }
0x57: {  	_ =	shalt  }
0x58: {  	_ =	shalt  }
0x59: {  	_ =	shalt  }
0x5a: {  	_ =	shalt  }
0x5b: {  	_ =	shalt  }
0x5c: {  	_ =	shalt  }
0x5d: {  	_ =	shalt  }
0x5e: {  	_ =	shalt  }
0x5f: {  	_ =	shalt  }
0x60: {  	_ =	shalt  }
0x61: {  	_ =	shalt  }
0x62: {  	_ =	shalt  }
0x63: {  	_ =	shalt  }
0x64: {  	_ =	shalt  }
0x65: {  	_ =	shalt  }
0x66: {  	_ =	shalt  }
0x67: {  	_ =	shalt  }
0x68: {  	_ =	shalt  }
0x69: {  	_ =	shalt  }
0x6a: {  	_ =	shalt  }
0x6b: {  	_ =	shalt  }
0x6c: {  	_ =	shalt  }
0x6d: {  	_ =	shalt  }
0x6e: {  	_ =	shalt  }
0x6f: {  	_ =	shalt  }
0x70: {  	_ =	shalt  }
0x71: {  	_ =	shalt  }
0x72: {  	_ =	shalt  }
0x73: {  	_ =	shalt  }
0x74: {  	_ =	shalt  }
0x75: {  	_ =	shalt  }
0x76: {  	_ =	shalt  }
0x77: {  	_ =	shalt  }
0x78: {  	_ =	shalt  }
0x79: {  	_ =	shalt  }
0x7a: {  	_ =	shalt  }
0x7b: {  	_ =	shalt  }
0x7c: {  	_ =	shalt  }
0x7d: {  	_ =	shalt  }
0x7e: {  	_ =	shalt  }
0x7f: {  	_ =	shalt  }
0x80: {  	_ =	shalt  }
0x81: {  	_ =	shalt  }
0x82: {  	_ =	shalt  }
0x83: {  	_ =	shalt  }
0x84: {  	_ =	shalt  }
0x85: {  	_ =	shalt  }
0x86: {  	_ =	shalt  }
0x87: {  	_ =	shalt  }
.Lfunc_end0:
.L_simem_size_0:
called_computation_lowered:
.L_overlay_start_0:
0x88: {  	s2 =	sld [smem:$0x3FD9]  }
0x89: {  	s3 =	sld [smem:$0x3FFE];
	_ =	sdelay $0x1  }
0x8a: {  	s1 =	srdreg.scid  }
0x8b: {  	s0 =	sand.u32 $0x1, s1  }
0x8c: {  	s17 =	sshll.u32 s0, $0xA;
	s2 =	sadd.s32 s3, s2  }
0x8d: {  	s2 =	sadd.s32 s2, s17  }
0x8e: {  	[smem:$0x3FC3] =	sst s2  }
0x8f: {  	_ = 	snop  }
0x90: {  	s2 =	sld [smem:$0x3FC5]  }
0x91: {  	s18 =	sld [smem:$0x3FD0];
	(tm) =	ssettm $0x1  }
0x92: {  	s4 =	sld [smem:$0x3FFB];
	_ =	sdelay $0x3  }
0x93: {  	_ =	strace s4  }
0x94: {  	s4 =	sld [smem:$0x3FFC];
	_ =	sdelay $0x3  }
0x95: {  	_ =	strace s4  }
0x96: {  	s4 =	sld [smem:$0x3FFD];
	_ =	sdelay $0x3  }
0x97: {  	_ =	strace s4  }
0x98: {  	_ =	strace $0x8FFFFFFF  }
0x99: {  	s19 =	sld [smem:$0x3FDB];
	_ =	sdelay $0x1  }
0x9a: {  	s5 =	simm.s32 $_scs_section_size  }
0x9b: {  	s6 =	simm.s32 $_size__tile_overlayer_lowered;
	s7 =	simm.s32 $_tile_overlayer_lowered  }
0x9c: {  	s22 =	simm.s32 $0x1BFF;
	s21 =	sshll.u32 s7, $0x1;
	s4 =	sadd.s32 s5, s19  }
0x9d: {  	s8 =	simm.s32 $0x0;
	s20 =	sshll.u32 s6, $0x1;
	s6 =	sadd.s32 s21, s4  }
0x9e: {  	[timem:s8], [sflag:s22] =	dma.local [hbm:s6], s20  }
0x9f: {  	_ =	swait.ge [sflag:s22], s20  }
0xa0: {  	s5 =	ssub.s32 $0x0, s20;
	[sflag:s22] =	ssyncset.done $0x0  }
0xa1: {  	[sflag:s22] =	ssyncadd.s32 s5;
	_ =	sdelay $0x1  }
0xa2: {  	s23 =	simm.s32 $0x1B8B  }
0xa3: {  	_ =	swait.ge [sflag:s23], $0x1  }
0xa4: {  	[sflag:s23] =	ssyncset.done $0x0  }
0xa5: {  	s25 =	simm.s32 $0x1B8E;
	s24 =	sld [smem:$0x3FFE];
	[sflag:s23] =	ssyncadd.s32 $0xFFFFFFFF  }
0xa6: {  	s26 =	simm.s32 $execute0_lowered;
	[smem:$0x3FD2] =	sst s25  }
0xa7: {  	s6 =	sshll.u32 s26, $0x1;
	_ =	strace $0x80000046;
	[dreg:$0x1] =	wrdreg $0xFFFFFFFF  }
0xa8: {  	s28 =	simm.s32 $_size_execute0_lowered;
	s4 =	sadd.s32 s4, s6;
	[dreg:$0x0] =	wrdreg $0x0  }
0xa9: {  	s6 =	sshll.u32 s28, $0x1;
	[dreg:$0x2] =	wrdreg s4  }
0xaa: {  	[dreg:$0x3] =	wrdreg s6  }
0xab: {  	[dreg:$0x4] =	wrdreg $0xC0  }
0xac: {  	_ =	task [dreg:s8], $0x5FFFF  }
0xad: {  	[dreg:$0x1] =	wrdreg $0xFFFFFFFF  }
0xae: {  	[dreg:$0x0] =	wrdreg $0x60  }
0xaf: {  	[dreg:$0x2] =	wrdreg s18  }
0xb0: {  	[dreg:$0x3] =	wrdreg s24  }
0xb1: {  	[dreg:$0x4] =	wrdreg s2  }
0xb2: {  	[dreg:$0x5] =	wrdreg $0x9  }
0xb3: {  	_ =	task.clear_ibuf [dreg:s8], $0x6FFFF;
	_ =	strace $0x90000046  }
0xb4: {  	s29 =	simm.s32 $0x9;
	_ =	strace $0x80000048  }
0xb5: {  	_ =	swait.ge [sflag:s29], $0x1  }
0xb6: {  	[sflag:s29] =	ssyncadd.s32 $0xFFFFFFFF  }
0xb7: {  	_ =	strace $0x90000048  }
0xb8: {  	_ =	sfence  }
0xb9: {  	s30 =	sld [smem:$0x0];
	_ =	sdelay $0x2  }
0xba: {  	s31 =	sshll.u32 s1, $0xD;
	s1 =	sshrl.u32 s1, $0x2  }
0xbb: {  	s3 =	sand.u32 $0x4000, s31;
	s1 =	sadd.s32 s1, s30  }
0xbc: {  	s0 =	sor.u32 s3, s0;
	s1 =	sshll.u32 s1, $0x11  }
0xbd: {  	s0 =	sor.u32 s1, s0  }
0xbe: {  	s0 =	sadd.s32 $0x8F2B, s0  }
0xbf: {  	[sflag:s0] =	ssyncadd.remote.s32 $0x1  }
0xc0: {  	_ =	sfence.sel $0xFFFF  }
0xc1: {  	[dreg:$0x0] =	wrdreg $0xFFFFFFFF;
	(pc) =	sbr.abs _section_cstart, $3  }
0xc2: {  	[dreg:$0x1] =	wrdreg $0xFFFFFFFF  }
0xc3: {  	_ =	task.clear_ibuf [dreg:s8], $0x2FFFF;
	_ =	strace $0x9FFFFFFF  }
0xc4: {  	(tm) =	ssettm $0x7FFFFFFF  }
0xc5: {  	_ =	shalt  }
tec
execute0_lowered:
.L_overlay_start_1:
0x0: {  	(tag) =	ssettag $0x1  }
0x1: {  	s0 =	rddreg [dreg:$0x0];
	s1 =	srdreg.scid  }
0x2: {  	s2 =	stileid.u32;
	s5 =	rddreg [dreg:$0x1]  }
0x3: {  	s11 =	simm.s32 $0x14D00;
	s12 =	simm.s32 $0x8;
	s13 =	simm.s32 $0xC980  }
0x4: {  	s14 =	simm.s32 $0xCA00;
	s1 =	sand.u32 $0x1, s1;
	s3 =	sshll.u32 s2, $0x1  }
0x5: {  	s15 =	simm.s32 $0x1;
	s16 =	simm.s32 $0x2;
	s6 =	sor.u32 s1, s3  }
0x6: {  	v14 =	vlaneseq.u32;
	vm0 =	vmmov $0x3;
	s17 =	simm.s32 $0x0;
	s4 =	sadd.s32 $0x19800, s5;
	s7 =	smul.u32 $0xC80, s6  }
.Ltmp0:
0x7: {  	v0 =	vor.u32 $0x186A0, v14;
	v1 =	vor.u32 $0x186B0, v14;
	v2 =	vor.u32 $0x186C0, v14;
	s3 =	simm.s32 $0x0;
	s1 =	ssub.s32 $0x2, s1;
	(pc) =	sbr.rel .LBB2_1-.Ltmp0, $4  }
0x8: {  	v3 =	vor.u32 $0x186D0, v14;
	v4 =	vor.u32 $0x186E0, v14;
	v5 =	vor.u32 $0x186F0, v14;
	[smem:$0x7FF] =	sst s3;
	s6 =	sshll.u32 s6, $0xE;
	s9 =	sshrl.u32 s1, $0x1  }
0x9: {  	v6 =	vor.u32 $0x18700, v14;
	v7 =	vor.u32 $0x18710, v14;
	v8 =	vor.u32 $0x18720, v14;
	_ =	strace $0x80000047;
	s10 =	sadd.s32 s6, s5;
	s1 =	ssub.s32 s1, s9  }
0xa: {  	v9 =	vor.u32 $0x18730, v14;
	v10 =	vor.u32 $0x18740, v14;
	v11 =	vor.u32 $0x18750, v14;
	s9 =	simm.s32 $0x3;
	s8 =	sadd.s32 s7, s5;
	s5 =	sadd.s32 s0, s7  }
0xb: {  	v12 =	vor.u32 $0x18760, v14;
	v13 =	vor.u32 $0x18770, v14;
	v14 =	vor.u32 $0x18780, v14;
	s7 =	sadd.s32 $0x1A8000, s10;
	s6 =	sadd.s32 $0x800, s8;
	s8 =	smax.u32 s1, $0x1  }
.LBB2_21:
0xc: {  	s17 =	sadd.s32 $0x1, s17  }
0xd: {  	_ =	swait.ge [sflag:s16], $0x100;
	p0 =	sne.s32 s17, s8  }
.Ltmp1:
0xe: {  	[sflag:s16] =	ssyncset.done $0x0;
	(pc) =	sbr.rel @!p0 .LBB2_22-.Ltmp1, $4  }
0xf: {  	[sflag:s16] =	ssyncadd.s32 $0xFFFFFF00  }
0x10: {  	_ =	swait.ge [sflag:s16], $0x100  }
0x11: {  	[sflag:s16] =	ssyncset.done $0x0  }
0x12: {  	[sflag:s16] =	ssyncadd.s32 $0xFFFFFF00  }
.LBB2_1:
0x13: {  	[tilespmem:s3], [sflag:$0x3] =	stream.linear.gather [hbm4b:s5+s3], $0x6400, $0x38;
	[tilespmem:$0x14E00] =	vst v63  }
0x14: {  	_ =	swait.ge [sflag:s9], $0x6400  }
0x15: {  	[sflag:s9] =	ssyncset.done $0x0  }
0x16: {  	s0 =	simm.s32 $0x6480;
	[sflag:s9] =	ssyncadd.s32 $0xFFFF9C00  }
0x17: {  	[tilespmem:s0], [sflag:$0x3] =	stream.linear.gather [hbm4b:s6+s3], $0x6400, $0x38;
	[tilespmem:$0x14E00] =	vst v63  }
0x18: {  	_ =	swait.ge [sflag:s9], $0x6400  }
0x19: {  	[sflag:s9] =	ssyncset.done $0x0  }
0x1a: {  	[sflag:s9] =	ssyncadd.s32 $0xFFFF9C00  }
0x1b: {  	s28 =	rddreg [dreg:$0x2]  }
0x1c: {  	[tilespmem:s11], [sflag:$0x3] =	stream.linear.gather [hbm4b:s28+s3], $0x100, $0x38;
	[tilespmem:$0x14E00] =	vst v63  }
0x1d: {  	_ =	swait.ge [sflag:s9], $0x100  }
0x1e: {  	[sflag:s9] =	ssyncset.done $0x0  }
0x1f: {  	[sflag:s9] =	ssyncadd.s32 $0xFFFFFF00  }
0x20: {  	v15 =	vld [tilespmem:$0x6480]  }
0x21: {  	[tilespmem:$0xC900] =	vst v0;
	v16 =	vld [tilespmem:$0x0]  }
0x22: {  	[tilespmem:$0xC910] =	vst v1  }
0x23: {  	[tilespmem:$0xC920] =	vst v2  }
0x24: {  	[tilespmem:$0xC930] =	vst v3  }
0x25: {  	s18 =	simm.s32 $0xC900;
	[tilespmem:$0xC940] =	vst v4;
	vm1 =	vne.s32 v15, $0x0  }
0x26: {  	[tilespmem:s18+$0x0] =	vst.msk vm1, v16  }
0x27: {  	v15 =	vmpcnt.ones.xlane vm1;
	v16 =	vld [tilespmem:$0x6490];
	_ =	sdelay $0x1  }
0x28: {  	(v2sf) =	vpush v15, $0x0;
	_ =	sdelay $0x2  }
0x29: {  	vm1 =	vne.s32 v16, $0x0  }
0x2a: {  	v15 =	vmpcnt.ones.xlane vm1;
	_ =	sdelay $0x1  }
0x2b: {  	(v2sf) =	vpush v15, $0x0;
	_ =	sdelay $0x4  }
0x2c: {  	v15 =	vld [tilespmem:$0x10];
	_ =	sdelay $0x3  }
0x2d: {  	s29 =	spop (v2sf)  }
0x2e: {  	[tilespmem:s29+$0xC900] =	vst.msk vm1, v15  }
0x2f: {  	v15 =	vld [tilespmem:$0x64A0]  }
0x30: {  	v62 =	vld [tilespmem:$0x20];
	_ =	sdelay $0x2  }
0x31: {  	s1 =	spop (v2sf)  }
0x32: {  	vm1 =	vne.s32 v15, $0x0;
	s0 =	sadd.s32 s29, s1  }
0x33: {  	[tilespmem:s0+$0xC900] =	vst.msk vm1, v62  }
0x34: {  	v15 =	vld [tilespmem:$0x64B0];
	_ =	sdelay $0x4  }
0x35: {  	vm2 =	vne.s32 v15, $0x0  }
0x36: {  	v15 =	vmpcnt.ones.xlane vm1;
	vm1 =	vmand vm2, vm0  }
0x37: {  	v63 =	vmpcnt.ones.xlane vm1  }
0x38: {  	(v2sf) =	vpush v15, $0x0  }
0x39: {  	(v2sf) =	vpush v63, $0x0;
	_ =	sdelay $0xd  }
0x3a: {  	s30 =	spop (v2sf)  }
0x3b: {  	s0 =	sadd.s32 s0, s30;
	s31 =	spop (v2sf)  }
0x3c: {  	s20 =	sadd.s32 s0, s31  }
0x3d: {  	s1 =	sadd.s32 $0x7, s20  }
0x3e: {  	s26 =	sshra.s32 s1, $0x3  }
0x3f: {  	v15 =	vld [tilespmem:$0x30];
	p0 =	slt.s32 s26, $0x1  }
.Ltmp2:
0x40: {  	_ = 	snop;
	(pc) =	sbr.rel @p0 .LBB2_4-.Ltmp2, $2  }
0x41: {  	_ =	sdelay $0x2  }
0x42: {  	[tilespmem:s0+$0xC900] =	vst.msk vm1, v15;
	s0 =	simm.s32 $0xCB00  }
0x43: {  	p0 =	sne.s32 s26, $0x1  }
.Ltmp3:
0x44: {  	_ = 	snop;
	(pc) =	sbr.rel @!p0 .LBB2_4-.Ltmp3, $3  }
0x45: {  	_ =	sdelay $0x1  }
0x46: {  	[tilespmem:s0], [sflag:$0x1] =	stream.indirect.gather [hbm4b:s4+s12], $0x80, s18, s12, $0xb8;
	[tilespmem:$0x14E00] =	vst v63  }
0x47: {  	s1 =	sadd.s32 $0xFFFFFFFF, s26  }
.LBB2_3:
0x48: {  	p0 =	sne.s32 s1, $0x1  }
.Ltmp4:
0x49: {  	_ = 	snop;
	(pc) =	sbr.rel @p0 .LBB2_3-.Ltmp4, $4  }
0x4a: {  	_ = 	snop  }
0x4b: {  	s18 =	sadd.s32 $0x8, s18;
	s0 =	sadd.s32 $0x400, s0  }
0x4c: {  	s1 =	sadd.s32 $0xFFFFFFFF, s1  }
0x4d: {  	[tilespmem:s0], [sflag:$0x1] =	stream.indirect.gather [hbm4b:s4+s12], $0x80, s18, s12, $0xb8;
	[tilespmem:$0x14E00] =	vst v63  }
.LBB2_4:
0x4e: {  	v15 =	vld [tilespmem:$0x64B2]  }
0x4f: {  	[tilespmem:$0xC980] =	vst v5;
	v16 =	vld [tilespmem:$0x32]  }
0x50: {  	[tilespmem:$0xC990] =	vst v6  }
0x51: {  	[tilespmem:$0xC9A0] =	vst v7  }
0x52: {  	[tilespmem:$0xC9B0] =	vst v8  }
0x53: {  	[tilespmem:$0xC9C0] =	vst v9;
	vm1 =	vne.s32 v15, $0x0  }
0x54: {  	[tilespmem:s13+$0x0] =	vst.msk vm1, v16  }
0x55: {  	v15 =	vmpcnt.ones.xlane vm1;
	v16 =	vld [tilespmem:$0x64C2];
	_ =	sdelay $0x1  }
0x56: {  	(v2sf) =	vpush v15, $0x0;
	_ =	sdelay $0x2  }
0x57: {  	vm1 =	vne.s32 v16, $0x0  }
0x58: {  	v15 =	vmpcnt.ones.xlane vm1;
	_ =	sdelay $0x1  }
0x59: {  	(v2sf) =	vpush v15, $0x0;
	_ =	sdelay $0x4  }
0x5a: {  	v15 =	vld [tilespmem:$0x42];
	_ =	sdelay $0x3  }
0x5b: {  	s0 =	spop (v2sf)  }
0x5c: {  	[tilespmem:s0+$0xC980] =	vst.msk vm1, v15  }
0x5d: {  	v15 =	vld [tilespmem:$0x64D2]  }
0x5e: {  	v62 =	vld [tilespmem:$0x52];
	_ =	sdelay $0x2  }
0x5f: {  	s1 =	spop (v2sf)  }
0x60: {  	vm1 =	vne.s32 v15, $0x0;
	s0 =	sadd.s32 s0, s1  }
0x61: {  	[tilespmem:s0+$0xC980] =	vst.msk vm1, v62  }
0x62: {  	v15 =	vld [tilespmem:$0x64E2];
	_ =	sdelay $0x4  }
0x63: {  	vm2 =	vne.s32 v15, $0x0  }
0x64: {  	v15 =	vmpcnt.ones.xlane vm1;
	vm1 =	vmand vm2, vm0  }
0x65: {  	v63 =	vmpcnt.ones.xlane vm1  }
0x66: {  	(v2sf) =	vpush v15, $0x0  }
0x67: {  	(v2sf) =	vpush v63, $0x0;
	_ =	sdelay $0xd  }
0x68: {  	s30 =	spop (v2sf)  }
0x69: {  	s0 =	sadd.s32 s0, s30;
	s31 =	spop (v2sf)  }
0x6a: {  	s18 =	sadd.s32 s0, s31  }
0x6b: {  	s1 =	sadd.s32 $0x7, s18  }
0x6c: {  	s19 =	sshra.s32 s1, $0x3  }
0x6d: {  	v15 =	vld [tilespmem:$0x62];
	p0 =	slt.s32 s19, $0x1  }
.Ltmp5:
0x6e: {  	_ = 	snop;
	(pc) =	sbr.rel @p0 .LBB2_7-.Ltmp5, $2  }
0x6f: {  	_ =	sdelay $0x2  }
0x70: {  	[tilespmem:s0+$0xC980] =	vst.msk vm1, v15  }
0x71: {  	p0 =	sne.s32 s19, $0x1  }
.Ltmp6:
0x72: {  	s0 =	simm.s32 $0x0;
	(pc) =	sbr.rel @!p0 .LBB2_7-.Ltmp6, $4  }
0x73: {  	s0 =	sand.u32 $0xFFFFFFF8, s0  }
0x74: {  	s21 =	simm.s32 $0xEB00;
	s0 =	sadd.s32 $0xC980, s0  }
0x75: {  	[tilespmem:s21], [sflag:$0x1] =	stream.indirect.gather [hbm4b:s4+s12], $0x80, s0, s12, $0xb8;
	[tilespmem:$0x14E00] =	vst v63  }
0x76: {  	s1 =	simm.s32 $0x8;
	s0 =	sadd.s32 $0xFFFFFFFF, s19  }
.LBB2_6:
0x77: {  	s22 =	sand.u32 $0xFFFFFFF8, s1;
	p0 =	sne.s32 s0, $0x1;
	s0 =	sadd.s32 $0xFFFFFFFF, s0  }
.Ltmp7:
0x78: {  	s21 =	sadd.s32 $0x400, s21;
	s22 =	sadd.s32 $0xC980, s22;
	(pc) =	sbr.rel @p0 .LBB2_6-.Ltmp7, $3  }
0x79: {  	[tilespmem:s21], [sflag:$0x1] =	stream.indirect.gather [hbm4b:s4+s12], $0x80, s22, s12, $0xb8;
	[tilespmem:$0x14E00] =	vst v63  }
0x7a: {  	_ =	sdelay $0x1  }
0x7b: {  	s1 =	sadd.s32 $0x8, s1  }
.LBB2_7:
0x7c: {  	v15 =	vld [tilespmem:$0x64E4]  }
0x7d: {  	[tilespmem:$0xCA00] =	vst v10;
	v16 =	vld [tilespmem:$0x64]  }
0x7e: {  	[tilespmem:$0xCA10] =	vst v11  }
0x7f: {  	[tilespmem:$0xCA20] =	vst v12  }
0x80: {  	[tilespmem:$0xCA30] =	vst v13  }
0x81: {  	[tilespmem:$0xCA40] =	vst v14;
	vm1 =	vne.s32 v15, $0x0  }
0x82: {  	[tilespmem:s14+$0x0] =	vst.msk vm1, v16  }
0x83: {  	v15 =	vmpcnt.ones.xlane vm1;
	v16 =	vld [tilespmem:$0x64F4];
	_ =	sdelay $0x1  }
0x84: {  	(v2sf) =	vpush v15, $0x0;
	_ =	sdelay $0x2  }
0x85: {  	vm1 =	vne.s32 v16, $0x0  }
0x86: {  	v15 =	vmpcnt.ones.xlane vm1;
	_ =	sdelay $0x1  }
0x87: {  	(v2sf) =	vpush v15, $0x0;
	_ =	sdelay $0x4  }
0x88: {  	v15 =	vld [tilespmem:$0x74];
	_ =	sdelay $0x3  }
0x89: {  	s0 =	spop (v2sf)  }
0x8a: {  	[tilespmem:s0+$0xCA00] =	vst.msk vm1, v15  }
0x8b: {  	v15 =	vld [tilespmem:$0x6504]  }
0x8c: {  	v62 =	vld [tilespmem:$0x84];
	_ =	sdelay $0x2  }
0x8d: {  	s1 =	spop (v2sf)  }
0x8e: {  	vm1 =	vne.s32 v15, $0x0;
	s0 =	sadd.s32 s0, s1  }
0x8f: {  	[tilespmem:s0+$0xCA00] =	vst.msk vm1, v62  }
0x90: {  	v15 =	vld [tilespmem:$0x6514];
	_ =	sdelay $0x4  }
0x91: {  	vm2 =	vne.s32 v15, $0x0  }
0x92: {  	v15 =	vmpcnt.ones.xlane vm1;
	vm1 =	vmand vm2, vm0  }
0x93: {  	v63 =	vmpcnt.ones.xlane vm1  }
0x94: {  	(v2sf) =	vpush v15, $0x0  }
0x95: {  	(v2sf) =	vpush v63, $0x0;
	_ =	sdelay $0xd  }
0x96: {  	s30 =	spop (v2sf)  }
0x97: {  	s0 =	sadd.s32 s0, s30;
	s31 =	spop (v2sf)  }
0x98: {  	s21 =	sadd.s32 s0, s31  }
0x99: {  	s1 =	sadd.s32 $0x7, s21  }
0x9a: {  	s22 =	sshra.s32 s1, $0x3  }
0x9b: {  	v15 =	vld [tilespmem:$0x94];
	p0 =	slt.s32 s22, $0x1  }
.Ltmp8:
0x9c: {  	_ = 	snop;
	(pc) =	sbr.rel @p0 .LBB2_10-.Ltmp8, $2  }
0x9d: {  	_ =	sdelay $0x2  }
0x9e: {  	[tilespmem:s0+$0xCA00] =	vst.msk vm1, v15  }
0x9f: {  	p0 =	sne.s32 s22, $0x1  }
.Ltmp9:
0xa0: {  	s0 =	simm.s32 $0x0;
	(pc) =	sbr.rel @!p0 .LBB2_10-.Ltmp9, $4  }
0xa1: {  	s0 =	sand.u32 $0xFFFFFFF8, s0  }
0xa2: {  	s23 =	simm.s32 $0x10B00;
	s0 =	sadd.s32 $0xCA00, s0  }
0xa3: {  	[tilespmem:s23], [sflag:$0x1] =	stream.indirect.gather [hbm4b:s4+s12], $0x80, s0, s12, $0xb8;
	[tilespmem:$0x14E00] =	vst v63  }
0xa4: {  	s1 =	simm.s32 $0x8;
	s0 =	sadd.s32 $0xFFFFFFFF, s22  }
.LBB2_9:
0xa5: {  	s24 =	sand.u32 $0xFFFFFFF8, s1;
	p0 =	sne.s32 s0, $0x1;
	s0 =	sadd.s32 $0xFFFFFFFF, s0  }
.Ltmp10:
0xa6: {  	s23 =	sadd.s32 $0x400, s23;
	s24 =	sadd.s32 $0xCA00, s24;
	(pc) =	sbr.rel @p0 .LBB2_9-.Ltmp10, $3  }
0xa7: {  	[tilespmem:s23], [sflag:$0x1] =	stream.indirect.gather [hbm4b:s4+s12], $0x80, s24, s12, $0xb8;
	[tilespmem:$0x14E00] =	vst v63  }
0xa8: {  	_ =	sdelay $0x1  }
0xa9: {  	s1 =	sadd.s32 $0x8, s1  }
.LBB2_10:
.Ltmp11:
0xaa: {  	(pc) =	sbr.rel .LBB2_11-.Ltmp11, $2  }
0xab: {  	_ =	sdelay $0x2  }
0xac: {  	s23 =	simm.s32 $0x0;
	s24 =	simm.s32 $0x3;
	s25 =	simm.s32 $0x0  }
.LBB2_24:
0xad: {  	v18 =	vimm.f32 $0.0e+00  }
0xae: {  	v27 =	vimm.f32 $0.0e+00;
	v26 =	vimm.f32 $0.0e+00;
	v33 =	vimm.f32 $0.0e+00  }
0xaf: {  	v22 =	vimm.f32 $0.0e+00;
	v21 =	vimm.f32 $0.0e+00;
	v17 =	vimm.f32 $0.0e+00  }
0xb0: {  	v15 =	vimm.f32 $0.0e+00;
	v19 =	vimm.f32 $0.0e+00;
	v29 =	vimm.f32 $0.0e+00  }
0xb1: {  	v28 =	vimm.f32 $0.0e+00;
	v25 =	vimm.f32 $0.0e+00;
	v23 =	vimm.f32 $0.0e+00  }
0xb2: {  	v24 =	vimm.f32 $0.0e+00;
	v20 =	vimm.f32 $0.0e+00;
	v16 =	vimm.f32 $0.0e+00  }
.LBB2_20:
0xb3: {  	v30 =	vmov s20  }
0xb4: {  	p0 =	slt.u32 s25, $0x2;
	v31 =	vcvt.s32.f32 v30  }
0xb5: {  	s0 =	simm.s32 @!p0 $0x2  }
0xb6: {  	_ =	swait.ge @!p0 [sflag:s0], $0x100;
	v31 =	vmax.f32 v31, $1.000000000e+00  }
0xb7: {  	(erf) = vrcp.f32 v31;
	_ =	sdelay $0x4  }
0xb8: {  	[sflag:s0] =	ssyncset.done @!p0 $0x0  }
0xb9: {  	[sflag:s0] =	ssyncadd.s32 @!p0 $0xFFFFFF00  }
0xba: {  	v58 =	vld [tilespmem:$0x14D00]  }
0xbb: {  	v32 =	vld [tilespmem:$0x14D80]  }
0xbc: {  	vm1 =	vgt.s32 v30, $0x0;
	v59 =	vpop (erf)  }
0xbd: {  	v30 =	vnsel vm1, $0x0, v59  }
0xbe: {  	v18 =	vmul.f32 v18, v30  }
0xbf: {  	v31 =	vnsel vm1, $0x0, v58;
	v19 =	vmul.f32 v19, v30  }
0xc0: {  	s20 =	sshll.u32 s25, $0x7;
	v32 =	vnsel vm1, $0x0, v32;
	v18 =	vadd.f32 v31, v18  }
0xc1: {  	s26 =	sand.u32 $0x80, s20;
	v19 =	vadd.f32 v32, v19  }
0xc2: {  	[tilespmem:s26+$0x14B00] =	vst v18  }
0xc3: {  	[tilespmem:s26+$0x14C00] =	vst v19  }
0xc4: {  	v18 =	vld [tilespmem:$0x14D10]  }
0xc5: {  	v19 =	vld [tilespmem:$0x14D90];
	_ =	sdelay $0x2  }
0xc6: {  	v27 =	vmul.f32 v27, v30  }
0xc7: {  	v29 =	vmul.f32 v29, v30;
	v18 =	vnsel vm1, $0x0, v18  }
0xc8: {  	v19 =	vnsel vm1, $0x0, v19;
	v18 =	vadd.f32 v18, v27  }
0xc9: {  	v19 =	vadd.f32 v19, v29  }
0xca: {  	[tilespmem:s26+$0x14B10] =	vst v18  }
0xcb: {  	[tilespmem:s26+$0x14C10] =	vst v19  }
0xcc: {  	v18 =	vld [tilespmem:$0x14D20]  }
0xcd: {  	v19 =	vld [tilespmem:$0x14DA0];
	_ =	sdelay $0x2  }
0xce: {  	v26 =	vmul.f32 v26, v30  }
0xcf: {  	v60 =	vmul.f32 v28, v30;
	v18 =	vnsel vm1, $0x0, v18  }
0xd0: {  	v19 =	vnsel vm1, $0x0, v19;
	v18 =	vadd.f32 v18, v26  }
0xd1: {  	v19 =	vadd.f32 v19, v60  }
0xd2: {  	[tilespmem:s26+$0x14B20] =	vst v18  }
0xd3: {  	[tilespmem:s26+$0x14C20] =	vst v19  }
0xd4: {  	v18 =	vld [tilespmem:$0x14D30]  }
0xd5: {  	v19 =	vld [tilespmem:$0x14DB0];
	_ =	sdelay $0x2  }
0xd6: {  	v61 =	vmul.f32 v33, v30  }
0xd7: {  	v25 =	vmul.f32 v25, v30;
	v18 =	vnsel vm1, $0x0, v18  }
0xd8: {  	v19 =	vnsel vm1, $0x0, v19;
	v18 =	vadd.f32 v18, v61  }
0xd9: {  	v19 =	vadd.f32 v19, v25  }
0xda: {  	[tilespmem:s26+$0x14B30] =	vst v18  }
0xdb: {  	[tilespmem:s26+$0x14C30] =	vst v19  }
0xdc: {  	v18 =	vld [tilespmem:$0x14D40]  }
0xdd: {  	v19 =	vld [tilespmem:$0x14DC0];
	_ =	sdelay $0x2  }
0xde: {  	v22 =	vmul.f32 v22, v30  }
0xdf: {  	v23 =	vmul.f32 v23, v30;
	v18 =	vnsel vm1, $0x0, v18  }
0xe0: {  	v19 =	vnsel vm1, $0x0, v19;
	v18 =	vadd.f32 v18, v22  }
0xe1: {  	v19 =	vadd.f32 v19, v23  }
0xe2: {  	[tilespmem:s26+$0x14B40] =	vst v18  }
0xe3: {  	[tilespmem:s26+$0x14C40] =	vst v19  }
0xe4: {  	v18 =	vld [tilespmem:$0x14D50]  }
0xe5: {  	v19 =	vld [tilespmem:$0x14DD0];
	_ =	sdelay $0x2  }
0xe6: {  	v21 =	vmul.f32 v21, v30  }
0xe7: {  	v62 =	vmul.f32 v24, v30;
	v18 =	vnsel vm1, $0x0, v18  }
0xe8: {  	v19 =	vnsel vm1, $0x0, v19;
	v18 =	vadd.f32 v18, v21  }
0xe9: {  	v19 =	vadd.f32 v19, v62  }
0xea: {  	[tilespmem:s26+$0x14B50] =	vst v18  }
0xeb: {  	[tilespmem:s26+$0x14C50] =	vst v19  }
0xec: {  	v18 =	vld [tilespmem:$0x14D60]  }
0xed: {  	v19 =	vld [tilespmem:$0x14DE0];
	_ =	sdelay $0x2  }
0xee: {  	v17 =	vmul.f32 v17, v30  }
0xef: {  	v20 =	vmul.f32 v20, v30;
	v18 =	vnsel vm1, $0x0, v18  }
0xf0: {  	v19 =	vnsel vm1, $0x0, v19;
	v17 =	vadd.f32 v18, v17  }
0xf1: {  	v63 =	vadd.f32 v19, v20  }
0xf2: {  	[tilespmem:s26+$0x14B60] =	vst v17  }
0xf3: {  	[tilespmem:s26+$0x14C60] =	vst v63  }
0xf4: {  	v17 =	vld [tilespmem:$0x14D70]  }
0xf5: {  	v18 =	vld [tilespmem:$0x14DF0];
	_ =	sdelay $0x2  }
0xf6: {  	v15 =	vmul.f32 v15, v30  }
0xf7: {  	v16 =	vmul.f32 v16, v30;
	v17 =	vnsel vm1, $0x0, v17  }
0xf8: {  	s30 =	sshll.u32 s25, $0x5;
	s25 =	sadd.s32 $0x1, s25;
	v18 =	vnsel vm1, $0x0, v18;
	v15 =	vadd.f32 v17, v15  }
0xf9: {  	p0 =	sne.s32 s25, $0x200;
	v16 =	vadd.f32 v18, v16  }
.Ltmp12:
0xfa: {  	s24 =	sadd.s32 $0x1, s24;
	s23 =	sadd.s32 $0x1, s23;
	[tilespmem:s26+$0x14B70] =	vst v15;
	(pc) =	sbr.rel @!p0 .LBB2_21-.Ltmp12, $4  }
0xfb: {  	s20 =	smov.u32 s28;
	s1 =	sor.u32 $0x14B00, s26;
	s0 =	sadd.s32 s30, s7;
	[tilespmem:s26+$0x14C70] =	vst v16  }
0xfc: {  	[hbm4b:s0+s3] =	stream.linear.scatter [tilespmem:s1], [sflag:$0x2], $0x80, $0x38;
	[tilespmem:$0x14E00] =	vst v63  }
0xfd: {  	s31 =	sor.u32 $0x14C00, s26;
	s26 =	smov.u32 s29;
	s0 =	sadd.s32 $0x10, s0  }
0xfe: {  	[hbm4b:s0+s3] =	stream.linear.scatter [tilespmem:s31], [sflag:$0x2], $0x80, $0x38;
	[tilespmem:$0x14E00] =	vst v63  }
.LBB2_11:
0xff: {  	p0 =	sgt.u32 s25, $0x1FC  }
0x100: {  	s0 =	sadd.s32 @!p0 $0x3, s25  }
0x101: {  	s1 =	smul.u32 @!p0 $0x50, s0  }
0x102: {  	s29 =	sand.u32 @!p0 $0x3, s0  }
0x103: {  	s29 =	sshll.u32 @!p0 s29, $0x7;
	s28 =	sand.u32 @!p0 $0x1F0, s1;
	s30 =	sadd.s32 @!p0 $0x10, s1  }
0x104: {  	v15 =	vlaneseq.u32 @!p0;
	s31 =	sadd.s32 @!p0 $0x20, s1;
	s28 =	sadd.s32 @!p0 $0x186A0, s28;
	s30 =	sand.u32 @!p0 $0x1F0, s30  }
0x105: {  	v16 =	vor.u32 @!p0 s28, v15;
	s28 =	sadd.s32 @!p0 $0x186A0, s30;
	s30 =	sand.u32 @!p0 $0x1F0, s31;
	s31 =	sadd.s32 @!p0 $0x30, s1  }
0x106: {  	s1 =	sadd.s32 @!p0 $0x40, s1;
	v17 =	vor.u32 @!p0 s28, v15;
	[tilespmem:s29+$0xC900] =	vst @!p0 v16;
	s28 =	sadd.s32 @!p0 $0x186A0, s30;
	s30 =	sand.u32 @!p0 $0x1F0, s31  }
0x107: {  	s1 =	sand.u32 @!p0 $0x1F0, s1;
	[tilespmem:s29+$0xC910] =	vst @!p0 v17;
	v16 =	vor.u32 @!p0 s28, v15;
	s28 =	sadd.s32 @!p0 $0x186A0, s30  }
0x108: {  	s1 =	sadd.s32 @!p0 $0x186A0, s1;
	[tilespmem:s29+$0xC920] =	vst @!p0 v16;
	v16 =	vor.u32 @!p0 s28, v15  }
0x109: {  	s0 =	smul.u32 @!p0 $0x32, s0;
	v15 =	vor.u32 @!p0 s1, v15;
	[tilespmem:s29+$0xC930] =	vst @!p0 v16  }
0x10a: {  	[tilespmem:s29+$0xC940] =	vst @!p0 v15  }
0x10b: {  	v15 =	vld @!p0 [tilespmem:s0+$0x6480]  }
0x10c: {  	v16 =	vld @!p0 [tilespmem:s0+$0x0];
	_ =	sdelay $0x3  }
0x10d: {  	vm1 =	vne.s32 @!p0 v15, $0x0  }
0x10e: {  	[tilespmem:s29+$0xC900] =	vst.msk @!p0 vm1, v16  }
0x10f: {  	v15 =	vmpcnt.ones.xlane @!p0 vm1;
	v16 =	vld @!p0 [tilespmem:s0+$0x6490];
	_ =	sdelay $0x1  }
0x110: {  	(v2sf) =	vpush @!p0 v15, $0x0;
	_ =	sdelay $0x2  }
0x111: {  	vm1 =	vne.s32 @!p0 v16, $0x0  }
0x112: {  	v15 =	vmpcnt.ones.xlane @!p0 vm1;
	_ =	sdelay $0x1  }
0x113: {  	(v2sf) =	vpush @!p0 v15, $0x0;
	_ =	sdelay $0x7  }
0x114: {  	v15 =	vld @!p0 [tilespmem:s0+$0x10]  }
0x115: {  	s1 =	spop @!p0 (v2sf)  }
0x116: {  	s30 =	sadd.s32 @!p0 $0xC900, s29;
	s28 =	sand.u32 @!p0 $0xFFFFFF80, s1  }
0x117: {  	s29 =	sand.u32 @!p0 $0x7F, s1;
	s28 =	sadd.s32 @!p0 s28, s30  }
0x118: {  	s28 =	sor.u32 @!p0 s29, s28  }
0x119: {  	[tilespmem:s28+$0x0] =	vst.msk @!p0 vm1, v15  }
0x11a: {  	v15 =	vld @!p0 [tilespmem:s0+$0x64A0]  }
0x11b: {  	v16 =	vld @!p0 [tilespmem:s0+$0x20];
	s28 =	spop @!p0 (v2sf)  }
0x11c: {  	s1 =	sadd.s32 @!p0 s1, s28  }
0x11d: {  	s28 =	sand.u32 @!p0 $0xFFFFFF80, s1  }
0x11e: {  	s29 =	sand.u32 @!p0 $0x7F, s1;
	s28 =	sadd.s32 @!p0 s28, s30  }
0x11f: {  	vm1 =	vne.s32 @!p0 v15, $0x0;
	s28 =	sor.u32 @!p0 s29, s28  }
0x120: {  	[tilespmem:s28+$0x0] =	vst.msk @!p0 vm1, v16  }
0x121: {  	v15 =	vld @!p0 [tilespmem:s0+$0x64B0];
	_ =	sdelay $0x4  }
0x122: {  	vm3 =	vmmov @!p0 $0x3;
	vm2 =	vne.s32 @!p0 v15, $0x0  }
0x123: {  	v15 =	vmpcnt.ones.xlane @!p0 vm1;
	vm1 =	vmand @!p0 vm2, vm3  }
0x124: {  	v16 =	vmpcnt.ones.xlane @!p0 vm1  }
0x125: {  	(v2sf) =	vpush @!p0 v15, $0x0  }
0x126: {  	(v2sf) =	vpush @!p0 v16, $0x0;
	_ =	sdelay $0xd  }
0x127: {  	s28 =	smov.u32 s18;
	s29 =	spop @!p0 (v2sf)  }
0x128: {  	s18 =	smov.u32 s21;
	s1 =	sadd.s32 @!p0 s1, s29;
	s21 =	spop @!p0 (v2sf)  }
0x129: {  	s21 =	sadd.s32 @!p0 s1, s21  }
0x12a: {  	v15 =	vld @!p0 [tilespmem:s0+$0x30];
	s0 =	sadd.s32 @!p0 $0x7, s21  }
0x12b: {  	s29 =	smov.u32 s19;
	s19 =	smov.u32 s22;
	s22 =	sshra.s32 @!p0 s0, $0x3  }
0x12c: {  	p1 =	slt.s32 @!p0 s22, $0x1  }
0x12d: {  	p1 =	por p0, p1  }
.Ltmp13:
0x12e: {  	_ = 	snop;
	(pc) =	sbr.rel @p1 .LBB2_23-.Ltmp13, $4  }
0x12f: {  	s31 =	sand.u32 @!p0 $0xFFFFFF80, s1  }
0x130: {  	s0 =	sand.u32 @!p0 $0x7F, s1;
	s1 =	sadd.s32 @!p0 s31, s30  }
0x131: {  	s0 =	sor.u32 @!p0 s0, s1  }
0x132: {  	[tilespmem:s0+$0x0] =	vst.msk @!p0 vm1, v15  }
0x133: {  	s0 =	sand.u32 $0x3, s24  }
0x134: {  	s0 =	sshll.u32 s0, $0xD  }
0x135: {  	s31 =	sadd.s32 $0xCB00, s0;
	s0 =	simm.s32 @!p0 $0x0;
	p0 =	sne.s32 s22, $0x1  }
.Ltmp14:
0x136: {  	s1 =	sand.u32 $0xFFFFFF80, s0;
	(pc) =	sbr.rel @!p0 .LBB2_14-.Ltmp14, $4  }
0x137: {  	s0 =	sand.u32 $0x78, s0;
	s1 =	sadd.s32 s1, s30  }
0x138: {  	s0 =	sadd.s32 s0, s1  }
0x139: {  	[tilespmem:s31], [sflag:$0x1] =	stream.indirect.gather [hbm4b:s4+s12], $0x80, s0, s12, $0xb8;
	[tilespmem:$0x14E00] =	vst v63  }
0x13a: {  	s1 =	sadd.s32 $0xFFFFFFFF, s22;
	s0 =	simm.s32 $0x8  }
.LBB2_13:
0x13b: {  	s2 =	sand.u32 $0xFFFFFF80, s0;
	p0 =	sne.s32 s1, $0x1;
	s1 =	sadd.s32 $0xFFFFFFFF, s1  }
.Ltmp15:
0x13c: {  	s10 =	sand.u32 $0x78, s0;
	s2 =	sadd.s32 s2, s30;
	(pc) =	sbr.rel @p0 .LBB2_13-.Ltmp15, $4  }
0x13d: {  	s31 =	sadd.s32 $0x400, s31;
	s2 =	sadd.s32 s10, s2  }
0x13e: {  	[tilespmem:s31], [sflag:$0x1] =	stream.indirect.gather [hbm4b:s4+s12], $0x80, s2, s12, $0xb8;
	[tilespmem:$0x14E00] =	vst v63  }
0x13f: {  	_ = 	snop  }
0x140: {  	s0 =	sadd.s32 $0x8, s0  }
.Ltmp16:
0x141: {  	_ = 	snop;
	(pc) =	sbr.rel .LBB2_14-.Ltmp16, $1  }
0x142: {  	_ =	sdelay $0x3  }
.LBB2_23:
0x143: {  	s22 =	simm.s32 @p0 $0x0;
	s21 =	simm.s32 @p0 $0x0  }
.LBB2_14:
0x144: {  	p0 =	slt.s32 s26, $0x1  }
.Ltmp17:
0x145: {  	_ = 	snop;
	(pc) =	sbr.rel @p0 .LBB2_24-.Ltmp17, $1  }
0x146: {  	_ =	sdelay $0x3  }
0x147: {  	p0 =	sne.s32 s26, $0x1  }
.Ltmp18:
0x148: {  	_ = 	snop;
	(pc) =	sbr.rel @!p0 .LBB2_17-.Ltmp18, $4  }
0x149: {  	_ = 	snop  }
0x14a: {  	s0 =	sand.u32 $0x3, s23  }
0x14b: {  	_ =	swait.ge [sflag:s15], $0x400;
	s0 =	sshll.u32 s0, $0xD  }
0x14c: {  	[sflag:s15] =	ssyncset.done $0x0;
	s30 =	sadd.s32 $0xCB40, s0;
	s0 =	sadd.s32 $0xFFFFFFFF, s26  }
.LBB2_16:
0x14d: {  	p0 =	sne.s32 s0, $0x1;
	s0 =	sadd.s32 $0xFFFFFFFF, s0;
	[sflag:s15] =	ssyncadd.s32 $0xFFFFFC00  }
.Ltmp19:
0x14e: {  	(pc) =	sbr.rel @p0 .LBB2_16-.Ltmp19, $3  }
0x14f: {  	_ =	sdelay $0x1  }
0x150: {  	_ =	swait.ge [sflag:s15], $0x400  }
0x151: {  	[sflag:s15] =	ssyncset.done $0x0  }
.LBB2_17:
0x152: {  	[sflag:s15] =	ssyncadd.s32 $0xFFFFFC00  }
0x153: {  	v15 =	vld [tilespmem:s30+$0xFFFFFFC0]  }
0x154: {  	v17 =	vld [tilespmem:s30+$0xFFFFFFF0]  }
0x155: {  	v23 =	vld [tilespmem:s30+$0x20]  }
0x156: {  	v20 =	vimm.f32 $0.0e+00;
	v24 =	vimm.f32 $0.0e+00;
	v21 =	vld [tilespmem:s30+$0x0]  }
0x157: {  	v25 =	vimm.f32 $0.0e+00;
	v26 =	vimm.f32 $0.0e+00;
	v29 =	vimm.f32 $0.0e+00  }
0x158: {  	s0 =	sshll.u32 s26, $0x3;
	v27 =	vimm.f32 $0.0e+00;
	v28 =	vimm.f32 $0.0e+00;
	v30 =	vimm.f32 $0.0e+00;
	v16 =	vld [tilespmem:s30+$0x30]  }
0x159: {  	v31 =	vimm.f32 $0.0e+00;
	v32 =	vimm.f32 $0.0e+00;
	p0 =	sne.s32 s0, $0x1;
	v35 =	vld [tilespmem:s30+$0xFFFFFFE0];
	v22 =	vshll.u32 v17, $0x10  }
.Ltmp20:
0x15a: {  	v36 =	vand.u32 $0xFFFF0000, v17;
	v17 =	vshll.u32 v23, $0x10;
	v39 =	vand.u32 $0xFFFF0000, v23;
	v23 =	vld [tilespmem:s30+$0xFFFFFFD0];
	(pc) =	sbr.rel @!p0 .LBB2_19-.Ltmp20, $4  }
0x15b: {  	v37 =	vld [tilespmem:s30+$0x10];
	v18 =	vshll.u32 v15, $0x10;
	v15 =	vand.u32 $0xFFFF0000, v15;
	v38 =	vshll.u32 v21, $0x10  }
0x15c: {  	v34 =	vand.u32 $0xFFFF0000, v21;
	v18 =	vadd.f32 v18, v20;
	v19 =	vadd.f32 v15, v20  }
0x15d: {  	v15 =	vshll.u32 v16, $0x10;
	v16 =	vand.u32 $0xFFFF0000, v16;
	v17 =	vadd.f32 v17, v20  }
0x15e: {  	s26 =	sadd.s32 $0xFFFFFFFF, s0;
	v21 =	vimm.f32 $0.0e+00;
	s30 =	sadd.s32 $0x80, s30;
	v15 =	vadd.f32 v15, v20;
	v16 =	vadd.f32 v16, v20  }
.LBB2_18:
0x15f: {  	v33 =	vld [tilespmem:s30+$0xFFFFFFC0];
	p0 =	sne.s32 s26, $0x1;
	s26 =	sadd.s32 $0xFFFFFFFF, s26;
	v40 =	vshll.u32 v23, $0x10;
	v41 =	vshll.u32 v35, $0x10;
	v20 =	vadd.f32 v22, v20  }
0x160: {  	v21 =	vadd.f32 v38, v21;
	v24 =	vadd.f32 v39, v24;
	v42 =	vld [tilespmem:s30+$0x20];
	v22 =	vshll.u32 v37, $0x10  }
0x161: {  	v25 =	vadd.f32 v36, v25;
	v38 =	vld [tilespmem:s30+$0x30];
	v26 =	vadd.f32 v22, v26;
	v22 =	vand.u32 $0xFFFF0000, v37  }
0x162: {  	v29 =	vadd.f32 v41, v29;
	v37 =	vand.u32 $0xFFFF0000, v35;
	v36 =	vld [tilespmem:s30+$0xFFFFFFF0];
	v27 =	vadd.f32 v22, v27  }
0x163: {  	v30 =	vadd.f32 v34, v30;
	v28 =	vadd.f32 v40, v28;
	v22 =	vand.u32 $0xFFFF0000, v23;
	v41 =	vld [tilespmem:s30+$0x0]  }
0x164: {  	v31 =	vadd.f32 v22, v31;
	v34 =	vshll.u32 v33, $0x10;
	v33 =	vand.u32 $0xFFFF0000, v33;
	v23 =	vld [tilespmem:s30+$0xFFFFFFD0]  }
.Ltmp21:
0x165: {  	v32 =	vadd.f32 v37, v32;
	v18 =	vadd.f32 v34, v18;
	v35 =	vld [tilespmem:s30+$0xFFFFFFE0];
	(pc) =	sbr.rel @p0 .LBB2_18-.Ltmp21, $4  }
0x166: {  	v19 =	vadd.f32 v33, v19;
	v37 =	vld [tilespmem:s30+$0x10];
	v33 =	vshll.u32 v38, $0x10;
	v40 =	vand.u32 $0xFFFF0000, v38  }
0x167: {  	v22 =	vshll.u32 v36, $0x10;
	v36 =	vand.u32 $0xFFFF0000, v36;
	v15 =	vadd.f32 v33, v15  }
0x168: {  	v39 =	vand.u32 $0xFFFF0000, v42;
	v33 =	vshll.u32 v42, $0x10;
	v38 =	vshll.u32 v41, $0x10  }
0x169: {  	s30 =	sadd.s32 $0x80, s30;
	v16 =	vadd.f32 v40, v16;
	v34 =	vand.u32 $0xFFFF0000, v41;
	v17 =	vadd.f32 v33, v17  }
.LBB2_19:
0x16a: {  	v40 =	vshll.u32 v23, $0x10;
	v41 =	vshll.u32 v35, $0x10;
	v33 =	vadd.f32 v22, v20  }
.Ltmp22:
0x16b: {  	v22 =	vadd.f32 v38, v21;
	v20 =	vadd.f32 v39, v24;
	v21 =	vshll.u32 v37, $0x10;
	(pc) =	sbr.rel .LBB2_20-.Ltmp22, $4  }
0x16c: {  	v25 =	vadd.f32 v36, v25;
	v24 =	vand.u32 $0xFFFF0000, v37;
	v21 =	vadd.f32 v21, v26  }
0x16d: {  	v63 =	vand.u32 $0xFFFF0000, v35;
	v26 =	vadd.f32 v41, v29;
	v24 =	vadd.f32 v24, v27  }
0x16e: {  	v27 =	vadd.f32 v40, v28;
	v28 =	vand.u32 $0xFFFF0000, v23;
	v23 =	vadd.f32 v34, v30  }
0x16f: {  	v29 =	vadd.f32 v28, v31;
	v28 =	vadd.f32 v63, v32  }
.LBB2_22:
0x170: {  	_ =	sfence.sel $0x180000  }
0x171: {  	[bflag:$0x0] =	sbarrier.arrive $0xFFFF  }
0x172: {  	_ =	strace $0x90000047  }
0x173: {  	s0 =	stileid.u32;
	[bflag:$0x2] =	sbarrier.arrive $0xFFFF  }
0x174: {  	p0 =	sne.s32 s0, $0x0;
	s0 =	rddreg [dreg:$0x3]  }
0x175: {  	s0 =	sadd.s32 @!p0 $0x100000, s0  }
0x176: {  	[sflag:s0] =	ssyncadd.tile.s32 @!p0 $0x1;
	_ =	shalt  }
.Lfunc_end2:
_tile_overlayer_lowered:
.L_overlay_start_2:
0x177: {  	(tag) =	ssettag $0x2  }
0x178: {  	s0 =	rddreg [dreg:$0x0];
	s2 =	stileid.u32  }
0x179: {  	s1 =	rddreg [dreg:$0x1];
	p0 =	sne.s32 s2, $0x0  }
0x17a: {  	s3 =	rddreg [dreg:$0x2];
	[bflag:$0x3] =	sbarrier.arrive $0xFFFF;
	s2 =	simm.s32 @!p0 $0x1C03  }
0x17b: {  	[timem:s3], [sflag:s2] =	dma.local @!p0 [hbm:s0], s1  }
0x17c: {  	s0 =	simm.s32 @!p0 $0x3  }
0x17d: {  	_ =	swait.ge @!p0 [sflag:s0], s1  }
0x17e: {  	s1 =	ssub.s32 @!p0 $0x0, s1;
	[sflag:s0] =	ssyncset.done @!p0 $0x0  }
0x17f: {  	[sflag:s0] =	ssyncadd.s32 @!p0 s1  }
0x180: {  	[bflag:$0x3] =	sbarrier.arrive $0xFFFF  }
0x181: {  	_ =	shalt  }

</sc_bundles>
